<compile_context>
chip_gen: v7x
topology: tpu7x:2x2x1
jax: 0.10.2.dev20260603
libtpu: 0.0.44.dev20260713+nightly
codegen_flags: <defaults>
</compile_context>

<pallas_src>
import jax
import jax.numpy as jnp
from jax import lax
from jax.experimental import pallas as pl
from jax.experimental.pallas import tpu as pltpu
from jax.experimental.pallas import tpu_sc as plsc

N_NODES = 10000
N_EDGES = 160000
HIDDEN = 256
NUM_REL = 1024
NPACK = HIDDEN // 32
HID_W = HIDDEN // 2

NW = 32
E_PER_W = N_EDGES // NW
CHUNK = 64
N_FULL = E_PER_W // CHUNK
TAIL = E_PER_W - N_FULL * CHUNK
TAIL_G = (TAIL + 15) // 16
OUT_PAD = N_FULL * CHUNK + TAIL_G * 16

Z_RPW = 312
Z_RCHUNK = 104
Z_LEFT = N_NODES - NW * Z_RPW
REL_RPW = NUM_REL // NW


def _pack_kernel(z_hbm, rel_hbm, zp_hbm, rp_hbm, zin, zout, rin, rout):
    wid = lax.axis_index("s") * 2 + lax.axis_index("c")

    def pack_rows(src_v, dst_v, n_rows):
        @plsc.parallel_loop(0, n_rows, unroll=2)
        def _row(r):
            for g in range(NPACK):
                a = src_v[r, pl.ds(g * 32, 16)]
                b = src_v[r, pl.ds(g * 32 + 16, 16)]
                w = plsc.bitcast(
                    plsc.pack(a, b, format=plsc.PackFormat.INTERLEAVED),
                    jnp.int32)
                dst_v[r, pl.ds(g * 16, 16)] = w

    def z_chunk(c, _):
        r0 = wid * Z_RPW + c * Z_RCHUNK
        pltpu.sync_copy(z_hbm.at[pl.ds(r0, Z_RCHUNK)], zin)
        pack_rows(zin, zout, Z_RCHUNK)
        pltpu.sync_copy(zout, zp_hbm.at[pl.ds(r0, Z_RCHUNK)])
        return 0

    lax.fori_loop(0, Z_RPW // Z_RCHUNK, z_chunk, 0)

    @pl.when(wid < 2)
    def _leftover():
        r0 = NW * Z_RPW + wid * (Z_LEFT // 2)
        pltpu.sync_copy(z_hbm.at[pl.ds(r0, Z_LEFT // 2)],
                        zin.at[pl.ds(0, Z_LEFT // 2)])
        pack_rows(zin, zout, Z_LEFT // 2)
        pltpu.sync_copy(zout.at[pl.ds(0, Z_LEFT // 2)],
                        zp_hbm.at[pl.ds(r0, Z_LEFT // 2)])

    rr0 = wid * REL_RPW
    pltpu.sync_copy(rel_hbm.at[pl.ds(rr0, REL_RPW)], rin)
    pack_rows(rin, rout, REL_RPW)
    pltpu.sync_copy(rout, rp_hbm.at[pl.ds(rr0, REL_RPW)])



@jax.jit
def _pack_tables(z, rel_emb):
    mesh = plsc.VectorSubcoreMesh(core_axis_name="c", subcore_axis_name="s")
    f = pl.kernel(
        _pack_kernel,
        out_type=[
            jax.ShapeDtypeStruct((N_NODES, HID_W), jnp.int32),
            jax.ShapeDtypeStruct((NUM_REL, HID_W), jnp.int32),
        ],
        mesh=mesh,
        scratch_types=[
            pltpu.VMEM((Z_RCHUNK, HIDDEN), jnp.float32),
            pltpu.VMEM((Z_RCHUNK, HID_W), jnp.int32),
            pltpu.VMEM((REL_RPW, HIDDEN), jnp.float32),
            pltpu.VMEM((REL_RPW, HID_W), jnp.int32),
        ],
        compiler_params=pltpu.CompilerParams(needs_layout_passes=False),
    )
    return f(z, rel_emb)


def _sc_kernel(src_hbm, dst_hbm, typ_hbm, z_hbm, rel_hbm, out_hbm,
               idx_all_s, idx_all_d, idx_all_t,
               rs0, rd0, rr0, rs1, rd1, rr1, rs2, rd2, rr2, rs3, rd3, rr3,
               part, out_v, sem0, sem1, sem2, sem3):
    wid = lax.axis_index("s") * 2 + lax.axis_index("c")
    base = wid * E_PER_W
    lanes16 = lax.iota(jnp.int32, 16) * 16

    def issue(c, rs, rd, rr, sem):
        o = c * CHUNK
        pltpu.async_copy(z_hbm.at[idx_all_s.at[pl.ds(o, CHUNK)]], rs, sem)
        pltpu.async_copy(z_hbm.at[idx_all_d.at[pl.ds(o, CHUNK)]], rd, sem)
        pltpu.async_copy(rel_hbm.at[idx_all_t.at[pl.ds(o, CHUNK)]], rr, sem)

    def drain(rs, rd, rr, sem):
        pltpu.make_async_copy(z_hbm.at[idx_all_s.at[pl.ds(0, CHUNK)]], rs, sem).wait()
        pltpu.make_async_copy(z_hbm.at[idx_all_d.at[pl.ds(0, CHUNK)]], rd, sem).wait()
        pltpu.make_async_copy(rel_hbm.at[idx_all_t.at[pl.ds(0, CHUNK)]], rr, sem).wait()

    def compute(rs, rd, rr, out_off, n_edges, n_groups):
        def prod(e, k):
            sl = pl.ds(k * 16, 16)
            s = plsc.bitcast(rs[e, sl], jnp.bfloat16)
            r = plsc.bitcast(rr[e, sl], jnp.bfloat16)
            d = plsc.bitcast(rd[e, sl], jnp.bfloat16)
            return s * r * d

        def unpk(p):
            return plsc.unpack(p, format=plsc.PackFormat.INTERLEAVED,
                               preferred_element_type=jnp.float32)

        @plsc.parallel_loop(0, n_edges, unroll=4)
        def _edge_body(e):
            a0, a1 = unpk(prod(e, 0))
            a2, a3 = unpk(prod(e, 1))
            for k in range(2, NPACK):
                x, y = unpk(prod(e, k))
                if k % 2 == 0:
                    a0, a1 = a0 + x, a1 + y
                else:
                    a2, a3 = a2 + x, a3 + y
            part[pl.ds(e * 16, 16)] = (a0 + a2) + (a1 + a3)

        for g in range(n_groups):
            acc = plsc.load_gather(part, [lanes16 + g * 256])
            for k in range(1, 16):
                acc = acc + plsc.load_gather(part, [lanes16 + (g * 256 + k)])
            out_v[pl.ds(out_off + g * 16, 16)] = acc

    pltpu.sync_copy(src_hbm.at[pl.ds(base, E_PER_W)], idx_all_s)
    pltpu.sync_copy(dst_hbm.at[pl.ds(base, E_PER_W)], idx_all_d)
    pltpu.sync_copy(typ_hbm.at[pl.ds(base, E_PER_W)], idx_all_t)

    issue(0, rs0, rd0, rr0, sem0)
    issue(1, rs1, rd1, rr1, sem1)
    issue(2, rs2, rd2, rr2, sem2)
    issue(3, rs3, rd3, rr3, sem3)

    def quad_body(i, _):
        c = i * 4
        drain(rs0, rd0, rr0, sem0)
        compute(rs0, rd0, rr0, c * CHUNK, CHUNK, CHUNK // 16)
        issue(c + 4, rs0, rd0, rr0, sem0)
        drain(rs1, rd1, rr1, sem1)
        compute(rs1, rd1, rr1, (c + 1) * CHUNK, CHUNK, CHUNK // 16)
        issue(c + 5, rs1, rd1, rr1, sem1)
        drain(rs2, rd2, rr2, sem2)
        compute(rs2, rd2, rr2, (c + 2) * CHUNK, CHUNK, CHUNK // 16)
        issue(c + 6, rs2, rd2, rr2, sem2)
        drain(rs3, rd3, rr3, sem3)
        compute(rs3, rd3, rr3, (c + 3) * CHUNK, CHUNK, CHUNK // 16)
        issue(c + 7, rs3, rd3, rr3, sem3)
        return 0

    lax.fori_loop(0, (N_FULL - 6) // 4, quad_body, 0)

    toff = N_FULL * CHUNK
    c = N_FULL - 6
    drain(rs0, rd0, rr0, sem0)
    compute(rs0, rd0, rr0, c * CHUNK, CHUNK, CHUNK // 16)
    issue(c + 4, rs0, rd0, rr0, sem0)
    drain(rs1, rd1, rr1, sem1)
    compute(rs1, rd1, rr1, (c + 1) * CHUNK, CHUNK, CHUNK // 16)
    issue(c + 5, rs1, rd1, rr1, sem1)
    drain(rs2, rd2, rr2, sem2)
    compute(rs2, rd2, rr2, (c + 2) * CHUNK, CHUNK, CHUNK // 16)
    pltpu.async_copy(z_hbm.at[idx_all_s.at[pl.ds(toff, TAIL)]],
                     rs2.at[pl.ds(0, TAIL)], sem2)
    pltpu.async_copy(z_hbm.at[idx_all_d.at[pl.ds(toff, TAIL)]],
                     rd2.at[pl.ds(0, TAIL)], sem2)
    pltpu.async_copy(rel_hbm.at[idx_all_t.at[pl.ds(toff, TAIL)]],
                     rr2.at[pl.ds(0, TAIL)], sem2)
    drain(rs3, rd3, rr3, sem3)
    compute(rs3, rd3, rr3, (c + 3) * CHUNK, CHUNK, CHUNK // 16)

    drain(rs0, rd0, rr0, sem0)
    compute(rs0, rd0, rr0, (c + 4) * CHUNK, CHUNK, CHUNK // 16)
    drain(rs1, rd1, rr1, sem1)
    compute(rs1, rd1, rr1, (c + 5) * CHUNK, CHUNK, CHUNK // 16)

    pltpu.make_async_copy(z_hbm.at[idx_all_s.at[pl.ds(toff, TAIL)]],
                          rs2.at[pl.ds(0, TAIL)], sem2).wait()
    pltpu.make_async_copy(z_hbm.at[idx_all_d.at[pl.ds(toff, TAIL)]],
                          rd2.at[pl.ds(0, TAIL)], sem2).wait()
    pltpu.make_async_copy(rel_hbm.at[idx_all_t.at[pl.ds(toff, TAIL)]],
                          rr2.at[pl.ds(0, TAIL)], sem2).wait()
    compute(rs2, rd2, rr2, toff, TAIL, TAIL_G)

    pltpu.sync_copy(out_v.at[pl.ds(0, E_PER_W)],
                    out_hbm.at[pl.ds(base, E_PER_W)])


@jax.jit
def _dist_mult(src, dst, typ, z, rel_emb):
    mesh = plsc.VectorSubcoreMesh(core_axis_name="c", subcore_axis_name="s")
    rows = pltpu.VMEM((CHUNK, HID_W), jnp.int32)
    f = pl.kernel(
        _sc_kernel,
        out_type=jax.ShapeDtypeStruct((N_EDGES,), jnp.float32),
        mesh=mesh,
        scratch_types=[
            pltpu.VMEM((E_PER_W,), jnp.int32),
            pltpu.VMEM((E_PER_W,), jnp.int32),
            pltpu.VMEM((E_PER_W,), jnp.int32),
            rows, rows, rows, rows, rows, rows,
            rows, rows, rows, rows, rows, rows,
            pltpu.VMEM((CHUNK * 16,), jnp.float32),
            pltpu.VMEM((OUT_PAD,), jnp.float32),
            pltpu.SemaphoreType.DMA,
            pltpu.SemaphoreType.DMA,
            pltpu.SemaphoreType.DMA,
            pltpu.SemaphoreType.DMA,
        ],
        compiler_params=pltpu.CompilerParams(needs_layout_passes=False),
    )
    return f(src, dst, typ, z, rel_emb)


def kernel(z, edge_index, edge_type, rel_emb):
    edge_index = edge_index.astype(jnp.int32)
    edge_type = edge_type.astype(jnp.int32)
    z_p, rel_p = _pack_tables(z, rel_emb)
    return _dist_mult(edge_index[0], edge_index[1], edge_type, z_p, rel_p)

# --- scband reference (transcript-rebuilt; emitter-appended) ---
"""Pipeline reference for scband-dist-mult-decoder-83623013253606 (READ-ONLY COPY).

The authoritative reference and input builder live on the scoring server;
editing this copy changes nothing except your own understanding.
"""

import jax, jax.numpy as jnp
import numpy as np

N_NODES = 10000
N_EDGES = 160000
HIDDEN = 256
NUM_REL = 1024


def setup_inputs(seed: int = 0) -> dict:
    key = jax.random.key(seed)
    k1, k2, k3, k4 = jax.random.split(key, 4)
    z = jax.random.normal(k1, (N_NODES, HIDDEN), dtype=jnp.float32)
    edge_index = jax.random.randint(k2, (2, N_EDGES), 0, N_NODES, dtype=jnp.int64 if jax.config.read('jax_enable_x64') else jnp.int32)
    edge_type = jax.random.randint(k3, (N_EDGES,), 0, NUM_REL, dtype=jnp.int64 if jax.config.read('jax_enable_x64') else jnp.int32)
    # rel_emb initialized with xavier_uniform: U(-a, a), a = sqrt(6 / (fan_in + fan_out))
    a = float(np.sqrt(6.0 / (NUM_REL + HIDDEN)))
    rel_emb = jax.random.uniform(k4, (NUM_REL, HIDDEN), dtype=jnp.float32, minval=-a, maxval=a)
    return {"z": z, "edge_index": edge_index, "edge_type": edge_type, "rel_emb": rel_emb}


def reference(z, edge_index, edge_type, rel_emb):
    # Gather source/destination node embeddings and relation embeddings
    z_src = jnp.take(z, edge_index[0], axis=0)
    z_dst = jnp.take(z, edge_index[1], axis=0)
    rel = jnp.take(rel_emb, edge_type, axis=0)
    # DistMult score: sum over hidden dim of elementwise triple product
    return jnp.sum(z_src * rel * z_dst, axis=1)

if __name__ == "__main__":
    import jax
    _d = setup_inputs()
    print(jax.jit(kernel)(*tuple(_d.values())))

</pallas_src>

<mosaic_0001>
#map = affine_map<(d0, d1) -> (0, 0)>
module attributes {stable_mosaic.version = 14 : i64} {
  func.func @_pack_kernel(%arg0: i32, %arg1: i32, %arg2: memref<10000x256xf32, #tpu.memory_space<hbm>>, %arg3: memref<1024x256xf32, #tpu.memory_space<hbm>>, %arg4: memref<10000x128xi32, #tpu.memory_space<hbm>>, %arg5: memref<1024x128xi32, #tpu.memory_space<hbm>>, %arg6: memref<104x256xf32, #tpu.memory_space<vmem>>, %arg7: memref<104x128xi32, #tpu.memory_space<vmem>>, %arg8: memref<32x256xf32, #tpu.memory_space<vmem>>, %arg9: memref<32x128xi32, #tpu.memory_space<vmem>>) attributes {dimension_semantics = [#tpu.dimension_semantics<core_parallel>, #tpu.dimension_semantics<subcore_parallel>], iteration_bounds = array<i64: 2, 16>, scalar_prefetch = 0 : i64, scratch_operands = 4 : i64, tpu.core_type = #tpu.core_type<sc_vector_subcore>, window_params = [{transform_indices = #map}, {transform_indices = #map}, {transform_indices = #map}, {transform_indices = #map}]} {
    %mul3A = arith.constant 2 : i32
    %mul3A_0 = arith.muli %arg1, %mul3A : i32
    %add3A = arith.addi %mul3A_0, %arg0 : i32
    %scan3A = arith.constant 0 : i32
    %scan3A_1 = arith.constant 0 : i32
    %scan3A_2 = arith.constant 3 : i32
    %scan3A_3 = arith.addi %scan3A_1, %scan3A_2 : i32
    %scan3A_4 = arith.constant 1 : i32
    %scan3A_5 = scf.for %scan3A_13 = %scan3A_1 to %scan3A_3 step %scan3A_4 iter_args(%scan3A_14 = %scan3A) -> (i32)  : i32 {
      %mul3A_15 = arith.constant 312 : i32
      %mul3A_16 = arith.muli %add3A, %mul3A_15 : i32
      %mul3A_17 = arith.constant 104 : i32
      %mul3A_18 = arith.muli %scan3A_13, %mul3A_17 : i32
      %add3A_19 = arith.addi %mul3A_16, %mul3A_18 : i32
      "tpu.region"() ({
        %run_scoped3A = tpu.sem_alloc : memref<!tpu.dma_semaphore, #tpu.memory_space<semaphore_mem>>
        %dma_start3A = arith.constant 0 : i32
        %dma_start3A_24 = tpu.memref_slice %arg2[%add3A_19, %dma_start3A] : memref<10000x256xf32, #tpu.memory_space<hbm>> -> memref<104x256xf32, #tpu.memory_space<hbm>>
        %dma_start3A_25 = arith.constant 0 : i32
        %dma_start3A_26 = tpu.memref_slice %arg2[%add3A_19, %dma_start3A_25] : memref<10000x256xf32, #tpu.memory_space<hbm>> -> memref<104x256xf32, #tpu.memory_space<hbm>>
        tpu.enqueue_dma source(%dma_start3A_26 : memref<104x256xf32, #tpu.memory_space<hbm>>) target(%arg6 : memref<104x256xf32, #tpu.memory_space<vmem>>) target_semaphore(%run_scoped3A : memref<!tpu.dma_semaphore, #tpu.memory_space<semaphore_mem>>)
        %dma_wait3A = arith.constant 0 : i32
        %dma_wait3A_27 = tpu.memref_slice %arg2[%add3A_19, %dma_wait3A] : memref<10000x256xf32, #tpu.memory_space<hbm>> -> memref<104x256xf32, #tpu.memory_space<hbm>>
        %dma_wait3A_28 = arith.constant 0 : i32
        %dma_wait3A_29 = tpu.memref_slice %arg2[%add3A_19, %dma_wait3A_28] : memref<10000x256xf32, #tpu.memory_space<hbm>> -> memref<104x256xf32, #tpu.memory_space<hbm>>
        tpu.wait_dma2 semaphore(%run_scoped3A : memref<!tpu.dma_semaphore, #tpu.memory_space<semaphore_mem>>) src(%dma_wait3A_29 : memref<104x256xf32, #tpu.memory_space<hbm>>) dst(%arg6 : memref<104x256xf32, #tpu.memory_space<vmem>>)
        tpu.yield
      }) : () -> ()
      %parallel_loop3A_20 = arith.constant 0 : i32
      %parallel_loop3A_21 = arith.constant 104 : i32
      %parallel_loop3A_22 = arith.constant 1 : i32
      scf.for %parallel_loop3A_24 = %parallel_loop3A_20 to %parallel_loop3A_21 step %parallel_loop3A_22  : i32 {
        %parallel_loop3A_25 = arith.index_cast %parallel_loop3A_24 : i32 to index
        %parallel_loop3A_26 = arith.constant 0 : index
        %parallel_loop3A_27 = tpu.vector_load %arg6[%parallel_loop3A_25, %parallel_loop3A_26] {strides = array<i32>} : memref<104x256xf32, #tpu.memory_space<vmem>>, vector<16xf32>,
        %parallel_loop3A_28 = arith.index_cast %parallel_loop3A_24 : i32 to index
        %parallel_loop3A_29 = arith.constant 16 : index
        %parallel_loop3A_30 = tpu.vector_load %arg6[%parallel_loop3A_28, %parallel_loop3A_29] {strides = array<i32>} : memref<104x256xf32, #tpu.memory_space<vmem>>, vector<16xf32>,
        %parallel_loop3A_31 = tpu.pack_subelements %parallel_loop3A_27, %parallel_loop3A_30 {pack_format = #tpu.pack_format<interleaved>, positions = array<i32: 0, 1>} : vector<16xf32>, vector<16xf32> -> vector<32xbf16>
        %parallel_loop3A_32 = vector.bitcast %parallel_loop3A_31 : vector<32xbf16> to vector<16xi32>
        %parallel_loop3A_33 = arith.index_cast %parallel_loop3A_24 : i32 to index
        %parallel_loop3A_34 = arith.constant 0 : index
        %parallel_loop3A_35 = tpu.vector_load %arg7[%parallel_loop3A_33, %parallel_loop3A_34] {strides = array<i32>} : memref<104x128xi32, #tpu.memory_space<vmem>>, vector<16xi32>,
        tpu.vector_store %arg7[%parallel_loop3A_33, %parallel_loop3A_34], %parallel_loop3A_32 {strides = array<i32>} : memref<104x128xi32, #tpu.memory_space<vmem>>, vector<16xi32>,
        %parallel_loop3A_36 = arith.index_cast %parallel_loop3A_24 : i32 to index
        %parallel_loop3A_37 = arith.constant 32 : index
        %parallel_loop3A_38 = tpu.vector_load %arg6[%parallel_loop3A_36, %parallel_loop3A_37] {strides = array<i32>} : memref<104x256xf32, #tpu.memory_space<vmem>>, vector<16xf32>,
        %parallel_loop3A_39 = arith.index_cast %parallel_loop3A_24 : i32 to index
        %parallel_loop3A_40 = arith.constant 48 : index
        %parallel_loop3A_41 = tpu.vector_load %arg6[%parallel_loop3A_39, %parallel_loop3A_40] {strides = array<i32>} : memref<104x256xf32, #tpu.memory_space<vmem>>, vector<16xf32>,
        %parallel_loop3A_42 = tpu.pack_subelements %parallel_loop3A_38, %parallel_loop3A_41 {pack_format = #tpu.pack_format<interleaved>, positions = array<i32: 0, 1>} : vector<16xf32>, vector<16xf32> -> vector<32xbf16>
        %parallel_loop3A_43 = vector.bitcast %parallel_loop3A_42 : vector<32xbf16> to vector<16xi32>
        %parallel_loop3A_44 = arith.index_cast %parallel_loop3A_24 : i32 to index
        %parallel_loop3A_45 = arith.constant 16 : index
        %parallel_loop3A_46 = tpu.vector_load %arg7[%parallel_loop3A_44, %parallel_loop3A_45] {strides = array<i32>} : memref<104x128xi32, #tpu.memory_space<vmem>>, vector<16xi32>,
        tpu.vector_store %arg7[%parallel_loop3A_44, %parallel_loop3A_45], %parallel_loop3A_43 {strides = array<i32>} : memref<104x128xi32, #tpu.memory_space<vmem>>, vector<16xi32>,
        %parallel_loop3A_47 = arith.index_cast %parallel_loop3A_24 : i32 to index
        %parallel_loop3A_48 = arith.constant 64 : index
        %parallel_loop3A_49 = tpu.vector_load %arg6[%parallel_loop3A_47, %parallel_loop3A_48] {strides = array<i32>} : memref<104x256xf32, #tpu.memory_space<vmem>>, vector<16xf32>,
        %parallel_loop3A_50 = arith.index_cast %parallel_loop3A_24 : i32 to index
        %parallel_loop3A_51 = arith.constant 80 : index
        %parallel_loop3A_52 = tpu.vector_load %arg6[%parallel_loop3A_50, %parallel_loop3A_51] {strides = array<i32>} : memref<104x256xf32, #tpu.memory_space<vmem>>, vector<16xf32>,
        %parallel_loop3A_53 = tpu.pack_subelements %parallel_loop3A_49, %parallel_loop3A_52 {pack_format = #tpu.pack_format<interleaved>, positions = array<i32: 0, 1>} : vector<16xf32>, vector<16xf32> -> vector<32xbf16>
        %parallel_loop3A_54 = vector.bitcast %parallel_loop3A_53 : vector<32xbf16> to vector<16xi32>
        %parallel_loop3A_55 = arith.index_cast %parallel_loop3A_24 : i32 to index
        %parallel_loop3A_56 = arith.constant 32 : index
        %parallel_loop3A_57 = tpu.vector_load %arg7[%parallel_loop3A_55, %parallel_loop3A_56] {strides = array<i32>} : memref<104x128xi32, #tpu.memory_space<vmem>>, vector<16xi32>,
        tpu.vector_store %arg7[%parallel_loop3A_55, %parallel_loop3A_56], %parallel_loop3A_54 {strides = array<i32>} : memref<104x128xi32, #tpu.memory_space<vmem>>, vector<16xi32>,
        %parallel_loop3A_58 = arith.index_cast %parallel_loop3A_24 : i32 to index
        %parallel_loop3A_59 = arith.constant 96 : index
        %parallel_loop3A_60 = tpu.vector_load %arg6[%parallel_loop3A_58, %parallel_loop3A_59] {strides = array<i32>} : memref<104x256xf32, #tpu.memory_space<vmem>>, vector<16xf32>,
        %parallel_loop3A_61 = arith.index_cast %parallel_loop3A_24 : i32 to index
        %parallel_loop3A_62 = arith.constant 112 : index
        %parallel_loop3A_63 = tpu.vector_load %arg6[%parallel_loop3A_61, %parallel_loop3A_62] {strides = array<i32>} : memref<104x256xf32, #tpu.memory_space<vmem>>, vector<16xf32>,
        %parallel_loop3A_64 = tpu.pack_subelements %parallel_loop3A_60, %parallel_loop3A_63 {pack_format = #tpu.pack_format<interleaved>, positions = array<i32: 0, 1>} : vector<16xf32>, vector<16xf32> -> vector<32xbf16>
        %parallel_loop3A_65 = vector.bitcast %parallel_loop3A_64 : vector<32xbf16> to vector<16xi32>
        %parallel_loop3A_66 = arith.index_cast %parallel_loop3A_24 : i32 to index
        %parallel_loop3A_67 = arith.constant 48 : index
        %parallel_loop3A_68 = tpu.vector_load %arg7[%parallel_loop3A_66, %parallel_loop3A_67] {strides = array<i32>} : memref<104x128xi32, #tpu.memory_space<vmem>>, vector<16xi32>,
        tpu.vector_store %arg7[%parallel_loop3A_66, %parallel_loop3A_67], %parallel_loop3A_65 {strides = array<i32>} : memref<104x128xi32, #tpu.memory_space<vmem>>, vector<16xi32>,
        %parallel_loop3A_69 = arith.index_cast %parallel_loop3A_24 : i32 to index
        %parallel_loop3A_70 = arith.constant 128 : index
        %parallel_loop3A_71 = tpu.vector_load %arg6[%parallel_loop3A_69, %parallel_loop3A_70] {strides = array<i32>} : memref<104x256xf32, #tpu.memory_space<vmem>>, vector<16xf32>,
        %parallel_loop3A_72 = arith.index_cast %parallel_loop3A_24 : i32 to index
        %parallel_loop3A_73 = arith.constant 144 : index
        %parallel_loop3A_74 = tpu.vector_load %arg6[%parallel_loop3A_72, %parallel_loop3A_73] {strides = array<i32>} : memref<104x256xf32, #tpu.memory_space<vmem>>, vector<16xf32>,
        %parallel_loop3A_75 = tpu.pack_subelements %parallel_loop3A_71, %parallel_loop3A_74 {pack_format = #tpu.pack_format<interleaved>, positions = array<i32: 0, 1>} : vector<16xf32>, vector<16xf32> -> vector<32xbf16>
        %parallel_loop3A_76 = vector.bitcast %parallel_loop3A_75 : vector<32xbf16> to vector<16xi32>
        %parallel_loop3A_77 = arith.index_cast %parallel_loop3A_24 : i32 to index
        %parallel_loop3A_78 = arith.constant 64 : index
        %parallel_loop3A_79 = tpu.vector_load %arg7[%parallel_loop3A_77, %parallel_loop3A_78] {strides = array<i32>} : memref<104x128xi32, #tpu.memory_space<vmem>>, vector<16xi32>,
        tpu.vector_store %arg7[%parallel_loop3A_77, %parallel_loop3A_78], %parallel_loop3A_76 {strides = array<i32>} : memref<104x128xi32, #tpu.memory_space<vmem>>, vector<16xi32>,
        %parallel_loop3A_80 = arith.index_cast %parallel_loop3A_24 : i32 to index
        %parallel_loop3A_81 = arith.constant 160 : index
        %parallel_loop3A_82 = tpu.vector_load %arg6[%parallel_loop3A_80, %parallel_loop3A_81] {strides = array<i32>} : memref<104x256xf32, #tpu.memory_space<vmem>>, vector<16xf32>,
        %parallel_loop3A_83 = arith.index_cast %parallel_loop3A_24 : i32 to index
        %parallel_loop3A_84 = arith.constant 176 : index
        %parallel_loop3A_85 = tpu.vector_load %arg6[%parallel_loop3A_83, %parallel_loop3A_84] {strides = array<i32>} : memref<104x256xf32, #tpu.memory_space<vmem>>, vector<16xf32>,
        %parallel_loop3A_86 = tpu.pack_subelements %parallel_loop3A_82, %parallel_loop3A_85 {pack_format = #tpu.pack_format<interleaved>, positions = array<i32: 0, 1>} : vector<16xf32>, vector<16xf32> -> vector<32xbf16>
        %parallel_loop3A_87 = vector.bitcast %parallel_loop3A_86 : vector<32xbf16> to vector<16xi32>
        %parallel_loop3A_88 = arith.index_cast %parallel_loop3A_24 : i32 to index
        %parallel_loop3A_89 = arith.constant 80 : index
        %parallel_loop3A_90 = tpu.vector_load %arg7[%parallel_loop3A_88, %parallel_loop3A_89] {strides = array<i32>} : memref<104x128xi32, #tpu.memory_space<vmem>>, vector<16xi32>,
        tpu.vector_store %arg7[%parallel_loop3A_88, %parallel_loop3A_89], %parallel_loop3A_87 {strides = array<i32>} : memref<104x128xi32, #tpu.memory_space<vmem>>, vector<16xi32>,
        %parallel_loop3A_91 = arith.index_cast %parallel_loop3A_24 : i32 to index
        %parallel_loop3A_92 = arith.constant 192 : index
        %parallel_loop3A_93 = tpu.vector_load %arg6[%parallel_loop3A_91, %parallel_loop3A_92] {strides = array<i32>} : memref<104x256xf32, #tpu.memory_space<vmem>>, vector<16xf32>,
        %parallel_loop3A_94 = arith.index_cast %parallel_loop3A_24 : i32 to index
        %parallel_loop3A_95 = arith.constant 208 : index
        %parallel_loop3A_96 = tpu.vector_load %arg6[%parallel_loop3A_94, %parallel_loop3A_95] {strides = array<i32>} : memref<104x256xf32, #tpu.memory_space<vmem>>, vector<16xf32>,
        %parallel_loop3A_97 = tpu.pack_subelements %parallel_loop3A_93, %parallel_loop3A_96 {pack_format = #tpu.pack_format<interleaved>, positions = array<i32: 0, 1>} : vector<16xf32>, vector<16xf32> -> vector<32xbf16>
        %parallel_loop3A_98 = vector.bitcast %parallel_loop3A_97 : vector<32xbf16> to vector<16xi32>
        %parallel_loop3A_99 = arith.index_cast %parallel_loop3A_24 : i32 to index
        %parallel_loop3A_100 = arith.constant 96 : index
        %parallel_loop3A_101 = tpu.vector_load %arg7[%parallel_loop3A_99, %parallel_loop3A_100] {strides = array<i32>} : memref<104x128xi32, #tpu.memory_space<vmem>>, vector<16xi32>,
        tpu.vector_store %arg7[%parallel_loop3A_99, %parallel_loop3A_100], %parallel_loop3A_98 {strides = array<i32>} : memref<104x128xi32, #tpu.memory_space<vmem>>, vector<16xi32>,
        %parallel_loop3A_102 = arith.index_cast %parallel_loop3A_24 : i32 to index
        %parallel_loop3A_103 = arith.constant 224 : index
        %parallel_loop3A_104 = tpu.vector_load %arg6[%parallel_loop3A_102, %parallel_loop3A_103] {strides = array<i32>} : memref<104x256xf32, #tpu.memory_space<vmem>>, vector<16xf32>,
        %parallel_loop3A_105 = arith.index_cast %parallel_loop3A_24 : i32 to index
        %parallel_loop3A_106 = arith.constant 240 : index
        %parallel_loop3A_107 = tpu.vector_load %arg6[%parallel_loop3A_105, %parallel_loop3A_106] {strides = array<i32>} : memref<104x256xf32, #tpu.memory_space<vmem>>, vector<16xf32>,
        %parallel_loop3A_108 = tpu.pack_subelements %parallel_loop3A_104, %parallel_loop3A_107 {pack_format = #tpu.pack_format<interleaved>, positions = array<i32: 0, 1>} : vector<16xf32>, vector<16xf32> -> vector<32xbf16>
        %parallel_loop3A_109 = vector.bitcast %parallel_loop3A_108 : vector<32xbf16> to vector<16xi32>
        %parallel_loop3A_110 = arith.index_cast %parallel_loop3A_24 : i32 to index
        %parallel_loop3A_111 = arith.constant 112 : index
        %parallel_loop3A_112 = tpu.vector_load %arg7[%parallel_loop3A_110, %parallel_loop3A_111] {strides = array<i32>} : memref<104x128xi32, #tpu.memory_space<vmem>>, vector<16xi32>,
        tpu.vector_store %arg7[%parallel_loop3A_110, %parallel_loop3A_111], %parallel_loop3A_109 {strides = array<i32>} : memref<104x128xi32, #tpu.memory_space<vmem>>, vector<16xi32>,
      } {sc.loop_unroll_factor = 2 : i64, sc.parallel_access}
      "tpu.region"() ({
        %run_scoped3A = tpu.sem_alloc : memref<!tpu.dma_semaphore, #tpu.memory_space<semaphore_mem>>
        %dma_start3A = arith.constant 0 : i32
        %dma_start3A_24 = tpu.memref_slice %arg4[%add3A_19, %dma_start3A] : memref<10000x128xi32, #tpu.memory_space<hbm>> -> memref<104x128xi32, #tpu.memory_space<hbm>>
        %dma_start3A_25 = arith.constant 0 : i32
        %dma_start3A_26 = tpu.memref_slice %arg4[%add3A_19, %dma_start3A_25] : memref<10000x128xi32, #tpu.memory_space<hbm>> -> memref<104x128xi32, #tpu.memory_space<hbm>>
        tpu.enqueue_dma source(%arg7 : memref<104x128xi32, #tpu.memory_space<vmem>>) target(%dma_start3A_26 : memref<104x128xi32, #tpu.memory_space<hbm>>) target_semaphore(%run_scoped3A : memref<!tpu.dma_semaphore, #tpu.memory_space<semaphore_mem>>)
        %dma_wait3A = arith.constant 0 : i32
        %dma_wait3A_27 = tpu.memref_slice %arg4[%add3A_19, %dma_wait3A] : memref<10000x128xi32, #tpu.memory_space<hbm>> -> memref<104x128xi32, #tpu.memory_space<hbm>>
        %dma_wait3A_28 = arith.constant 0 : i32
        %dma_wait3A_29 = tpu.memref_slice %arg4[%add3A_19, %dma_wait3A_28] : memref<10000x128xi32, #tpu.memory_space<hbm>> -> memref<104x128xi32, #tpu.memory_space<hbm>>
        tpu.wait_dma2 semaphore(%run_scoped3A : memref<!tpu.dma_semaphore, #tpu.memory_space<semaphore_mem>>) src(%arg7 : memref<104x128xi32, #tpu.memory_space<vmem>>) dst(%dma_wait3A_29 : memref<104x128xi32, #tpu.memory_space<hbm>>)
        tpu.yield
      }) : () -> ()
      %scan3A_23 = arith.constant 0 : i32
      scf.yield %scan3A_23 : i32
    }
    %scan3A_6 = arith.constant 3 : i32
    %lt3A = arith.constant 2 : i32
    %lt3A_7 = arith.cmpi slt, %add3A, %lt3A : i32
    %convert_element_type3A = arith.extui %lt3A_7 : i1 to i32
    %cond3A = arith.constant 0 : i32
    %cond3A_8 = arith.cmpi ne, %convert_element_type3A, %cond3A : i32
    scf.if %cond3A_8 {
      %mul3A_13 = arith.constant 8 : i32
      %mul3A_14 = arith.muli %add3A, %mul3A_13 : i32
      %add3A_15 = arith.constant 9984 : i32
      %add3A_16 = arith.addi %add3A_15, %mul3A_14 : i32
      "tpu.region"() ({
        %run_scoped3A = tpu.sem_alloc : memref<!tpu.dma_semaphore, #tpu.memory_space<semaphore_mem>>
        %dma_start3A = arith.constant 0 : i32
        %dma_start3A_20 = arith.constant 0 : i32
        %dma_start3A_21 = tpu.memref_slice %arg6[%dma_start3A, %dma_start3A_20] : memref<104x256xf32, #tpu.memory_space<vmem>> -> memref<8x256xf32, #tpu.memory_space<vmem>>
        %dma_start3A_22 = arith.constant 0 : i32
        %dma_start3A_23 = tpu.memref_slice %arg2[%add3A_16, %dma_start3A_22] : memref<10000x256xf32, #tpu.memory_space<hbm>> -> memref<8x256xf32, #tpu.memory_space<hbm>>
        %dma_start3A_24 = arith.constant 0 : i32
        %dma_start3A_25 = arith.constant 0 : i32
        %dma_start3A_26 = tpu.memref_slice %arg6[%dma_start3A_24, %dma_start3A_25] : memref<104x256xf32, #tpu.memory_space<vmem>> -> memref<8x256xf32, #tpu.memory_space<vmem>>
        %dma_start3A_27 = arith.constant 0 : i32
        %dma_start3A_28 = tpu.memref_slice %arg2[%add3A_16, %dma_start3A_27] : memref<10000x256xf32, #tpu.memory_space<hbm>> -> memref<8x256xf32, #tpu.memory_space<hbm>>
        tpu.enqueue_dma source(%dma_start3A_28 : memref<8x256xf32, #tpu.memory_space<hbm>>) target(%dma_start3A_26 : memref<8x256xf32, #tpu.memory_space<vmem>>) target_semaphore(%run_scoped3A : memref<!tpu.dma_semaphore, #tpu.memory_space<semaphore_mem>>)
        %dma_wait3A = arith.constant 0 : i32
        %dma_wait3A_29 = arith.constant 0 : i32
        %dma_wait3A_30 = tpu.memref_slice %arg6[%dma_wait3A, %dma_wait3A_29] : memref<104x256xf32, #tpu.memory_space<vmem>> -> memref<8x256xf32, #tpu.memory_space<vmem>>
        %dma_wait3A_31 = arith.constant 0 : i32
        %dma_wait3A_32 = tpu.memref_slice %arg2[%add3A_16, %dma_wait3A_31] : memref<10000x256xf32, #tpu.memory_space<hbm>> -> memref<8x256xf32, #tpu.memory_space<hbm>>
        %dma_wait3A_33 = arith.constant 0 : i32
        %dma_wait3A_34 = arith.constant 0 : i32
        %dma_wait3A_35 = tpu.memref_slice %arg6[%dma_wait3A_33, %dma_wait3A_34] : memref<104x256xf32, #tpu.memory_space<vmem>> -> memref<8x256xf32, #tpu.memory_space<vmem>>
        %dma_wait3A_36 = arith.constant 0 : i32
        %dma_wait3A_37 = tpu.memref_slice %arg2[%add3A_16, %dma_wait3A_36] : memref<10000x256xf32, #tpu.memory_space<hbm>> -> memref<8x256xf32, #tpu.memory_space<hbm>>
        tpu.wait_dma2 semaphore(%run_scoped3A : memref<!tpu.dma_semaphore, #tpu.memory_space<semaphore_mem>>) src(%dma_wait3A_37 : memref<8x256xf32, #tpu.memory_space<hbm>>) dst(%dma_wait3A_35 : memref<8x256xf32, #tpu.memory_space<vmem>>)
        tpu.yield
      }) : () -> ()
      %parallel_loop3A_17 = arith.constant 0 : i32
      %parallel_loop3A_18 = arith.constant 8 : i32
      %parallel_loop3A_19 = arith.constant 1 : i32
      scf.for %parallel_loop3A_20 = %parallel_loop3A_17 to %parallel_loop3A_18 step %parallel_loop3A_19  : i32 {
        %parallel_loop3A_21 = arith.index_cast %parallel_loop3A_20 : i32 to index
        %parallel_loop3A_22 = arith.constant 0 : index
        %parallel_loop3A_23 = tpu.vector_load %arg6[%parallel_loop3A_21, %parallel_loop3A_22] {strides = array<i32>} : memref<104x256xf32, #tpu.memory_space<vmem>>, vector<16xf32>,
        %parallel_loop3A_24 = arith.index_cast %parallel_loop3A_20 : i32 to index
        %parallel_loop3A_25 = arith.constant 16 : index
        %parallel_loop3A_26 = tpu.vector_load %arg6[%parallel_loop3A_24, %parallel_loop3A_25] {strides = array<i32>} : memref<104x256xf32, #tpu.memory_space<vmem>>, vector<16xf32>,
        %parallel_loop3A_27 = tpu.pack_subelements %parallel_loop3A_23, %parallel_loop3A_26 {pack_format = #tpu.pack_format<interleaved>, positions = array<i32: 0, 1>} : vector<16xf32>, vector<16xf32> -> vector<32xbf16>
        %parallel_loop3A_28 = vector.bitcast %parallel_loop3A_27 : vector<32xbf16> to vector<16xi32>
        %parallel_loop3A_29 = arith.index_cast %parallel_loop3A_20 : i32 to index
        %parallel_loop3A_30 = arith.constant 0 : index
        %parallel_loop3A_31 = tpu.vector_load %arg7[%parallel_loop3A_29, %parallel_loop3A_30] {strides = array<i32>} : memref<104x128xi32, #tpu.memory_space<vmem>>, vector<16xi32>,
        tpu.vector_store %arg7[%parallel_loop3A_29, %parallel_loop3A_30], %parallel_loop3A_28 {strides = array<i32>} : memref<104x128xi32, #tpu.memory_space<vmem>>, vector<16xi32>,
        %parallel_loop3A_32 = arith.index_cast %parallel_loop3A_20 : i32 to index
        %parallel_loop3A_33 = arith.constant 32 : index
        %parallel_loop3A_34 = tpu.vector_load %arg6[%parallel_loop3A_32, %parallel_loop3A_33] {strides = array<i32>} : memref<104x256xf32, #tpu.memory_space<vmem>>, vector<16xf32>,
        %parallel_loop3A_35 = arith.index_cast %parallel_loop3A_20 : i32 to index
        %parallel_loop3A_36 = arith.constant 48 : index
        %parallel_loop3A_37 = tpu.vector_load %arg6[%parallel_loop3A_35, %parallel_loop3A_36] {strides = array<i32>} : memref<104x256xf32, #tpu.memory_space<vmem>>, vector<16xf32>,
        %parallel_loop3A_38 = tpu.pack_subelements %parallel_loop3A_34, %parallel_loop3A_37 {pack_format = #tpu.pack_format<interleaved>, positions = array<i32: 0, 1>} : vector<16xf32>, vector<16xf32> -> vector<32xbf16>
        %parallel_loop3A_39 = vector.bitcast %parallel_loop3A_38 : vector<32xbf16> to vector<16xi32>
        %parallel_loop3A_40 = arith.index_cast %parallel_loop3A_20 : i32 to index
        %parallel_loop3A_41 = arith.constant 16 : index
        %parallel_loop3A_42 = tpu.vector_load %arg7[%parallel_loop3A_40, %parallel_loop3A_41] {strides = array<i32>} : memref<104x128xi32, #tpu.memory_space<vmem>>, vector<16xi32>,
        tpu.vector_store %arg7[%parallel_loop3A_40, %parallel_loop3A_41], %parallel_loop3A_39 {strides = array<i32>} : memref<104x128xi32, #tpu.memory_space<vmem>>, vector<16xi32>,
        %parallel_loop3A_43 = arith.index_cast %parallel_loop3A_20 : i32 to index
        %parallel_loop3A_44 = arith.constant 64 : index
        %parallel_loop3A_45 = tpu.vector_load %arg6[%parallel_loop3A_43, %parallel_loop3A_44] {strides = array<i32>} : memref<104x256xf32, #tpu.memory_space<vmem>>, vector<16xf32>,
        %parallel_loop3A_46 = arith.index_cast %parallel_loop3A_20 : i32 to index
        %parallel_loop3A_47 = arith.constant 80 : index
        %parallel_loop3A_48 = tpu.vector_load %arg6[%parallel_loop3A_46, %parallel_loop3A_47] {strides = array<i32>} : memref<104x256xf32, #tpu.memory_space<vmem>>, vector<16xf32>,
        %parallel_loop3A_49 = tpu.pack_subelements %parallel_loop3A_45, %parallel_loop3A_48 {pack_format = #tpu.pack_format<interleaved>, positions = array<i32: 0, 1>} : vector<16xf32>, vector<16xf32> -> vector<32xbf16>
        %parallel_loop3A_50 = vector.bitcast %parallel_loop3A_49 : vector<32xbf16> to vector<16xi32>
        %parallel_loop3A_51 = arith.index_cast %parallel_loop3A_20 : i32 to index
        %parallel_loop3A_52 = arith.constant 32 : index
        %parallel_loop3A_53 = tpu.vector_load %arg7[%parallel_loop3A_51, %parallel_loop3A_52] {strides = array<i32>} : memref<104x128xi32, #tpu.memory_space<vmem>>, vector<16xi32>,
        tpu.vector_store %arg7[%parallel_loop3A_51, %parallel_loop3A_52], %parallel_loop3A_50 {strides = array<i32>} : memref<104x128xi32, #tpu.memory_space<vmem>>, vector<16xi32>,
        %parallel_loop3A_54 = arith.index_cast %parallel_loop3A_20 : i32 to index
        %parallel_loop3A_55 = arith.constant 96 : index
        %parallel_loop3A_56 = tpu.vector_load %arg6[%parallel_loop3A_54, %parallel_loop3A_55] {strides = array<i32>} : memref<104x256xf32, #tpu.memory_space<vmem>>, vector<16xf32>,
        %parallel_loop3A_57 = arith.index_cast %parallel_loop3A_20 : i32 to index
        %parallel_loop3A_58 = arith.constant 112 : index
        %parallel_loop3A_59 = tpu.vector_load %arg6[%parallel_loop3A_57, %parallel_loop3A_58] {strides = array<i32>} : memref<104x256xf32, #tpu.memory_space<vmem>>, vector<16xf32>,
        %parallel_loop3A_60 = tpu.pack_subelements %parallel_loop3A_56, %parallel_loop3A_59 {pack_format = #tpu.pack_format<interleaved>, positions = array<i32: 0, 1>} : vector<16xf32>, vector<16xf32> -> vector<32xbf16>
        %parallel_loop3A_61 = vector.bitcast %parallel_loop3A_60 : vector<32xbf16> to vector<16xi32>
        %parallel_loop3A_62 = arith.index_cast %parallel_loop3A_20 : i32 to index
        %parallel_loop3A_63 = arith.constant 48 : index
        %parallel_loop3A_64 = tpu.vector_load %arg7[%parallel_loop3A_62, %parallel_loop3A_63] {strides = array<i32>} : memref<104x128xi32, #tpu.memory_space<vmem>>, vector<16xi32>,
        tpu.vector_store %arg7[%parallel_loop3A_62, %parallel_loop3A_63], %parallel_loop3A_61 {strides = array<i32>} : memref<104x128xi32, #tpu.memory_space<vmem>>, vector<16xi32>,
        %parallel_loop3A_65 = arith.index_cast %parallel_loop3A_20 : i32 to index
        %parallel_loop3A_66 = arith.constant 128 : index
        %parallel_loop3A_67 = tpu.vector_load %arg6[%parallel_loop3A_65, %parallel_loop3A_66] {strides = array<i32>} : memref<104x256xf32, #tpu.memory_space<vmem>>, vector<16xf32>,
        %parallel_loop3A_68 = arith.index_cast %parallel_loop3A_20 : i32 to index
        %parallel_loop3A_69 = arith.constant 144 : index
        %parallel_loop3A_70 = tpu.vector_load %arg6[%parallel_loop3A_68, %parallel_loop3A_69] {strides = array<i32>} : memref<104x256xf32, #tpu.memory_space<vmem>>, vector<16xf32>,
        %parallel_loop3A_71 = tpu.pack_subelements %parallel_loop3A_67, %parallel_loop3A_70 {pack_format = #tpu.pack_format<interleaved>, positions = array<i32: 0, 1>} : vector<16xf32>, vector<16xf32> -> vector<32xbf16>
        %parallel_loop3A_72 = vector.bitcast %parallel_loop3A_71 : vector<32xbf16> to vector<16xi32>
        %parallel_loop3A_73 = arith.index_cast %parallel_loop3A_20 : i32 to index
        %parallel_loop3A_74 = arith.constant 64 : index
        %parallel_loop3A_75 = tpu.vector_load %arg7[%parallel_loop3A_73, %parallel_loop3A_74] {strides = array<i32>} : memref<104x128xi32, #tpu.memory_space<vmem>>, vector<16xi32>,
        tpu.vector_store %arg7[%parallel_loop3A_73, %parallel_loop3A_74], %parallel_loop3A_72 {strides = array<i32>} : memref<104x128xi32, #tpu.memory_space<vmem>>, vector<16xi32>,
        %parallel_loop3A_76 = arith.index_cast %parallel_loop3A_20 : i32 to index
        %parallel_loop3A_77 = arith.constant 160 : index
        %parallel_loop3A_78 = tpu.vector_load %arg6[%parallel_loop3A_76, %parallel_loop3A_77] {strides = array<i32>} : memref<104x256xf32, #tpu.memory_space<vmem>>, vector<16xf32>,
        %parallel_loop3A_79 = arith.index_cast %parallel_loop3A_20 : i32 to index
        %parallel_loop3A_80 = arith.constant 176 : index
        %parallel_loop3A_81 = tpu.vector_load %arg6[%parallel_loop3A_79, %parallel_loop3A_80] {strides = array<i32>} : memref<104x256xf32, #tpu.memory_space<vmem>>, vector<16xf32>,
        %parallel_loop3A_82 = tpu.pack_subelements %parallel_loop3A_78, %parallel_loop3A_81 {pack_format = #tpu.pack_format<interleaved>, positions = array<i32: 0, 1>} : vector<16xf32>, vector<16xf32> -> vector<32xbf16>
        %parallel_loop3A_83 = vector.bitcast %parallel_loop3A_82 : vector<32xbf16> to vector<16xi32>
        %parallel_loop3A_84 = arith.index_cast %parallel_loop3A_20 : i32 to index
        %parallel_loop3A_85 = arith.constant 80 : index
        %parallel_loop3A_86 = tpu.vector_load %arg7[%parallel_loop3A_84, %parallel_loop3A_85] {strides = array<i32>} : memref<104x128xi32, #tpu.memory_space<vmem>>, vector<16xi32>,
        tpu.vector_store %arg7[%parallel_loop3A_84, %parallel_loop3A_85], %parallel_loop3A_83 {strides = array<i32>} : memref<104x128xi32, #tpu.memory_space<vmem>>, vector<16xi32>,
        %parallel_loop3A_87 = arith.index_cast %parallel_loop3A_20 : i32 to index
        %parallel_loop3A_88 = arith.constant 192 : index
        %parallel_loop3A_89 = tpu.vector_load %arg6[%parallel_loop3A_87, %parallel_loop3A_88] {strides = array<i32>} : memref<104x256xf32, #tpu.memory_space<vmem>>, vector<16xf32>,
        %parallel_loop3A_90 = arith.index_cast %parallel_loop3A_20 : i32 to index
        %parallel_loop3A_91 = arith.constant 208 : index
        %parallel_loop3A_92 = tpu.vector_load %arg6[%parallel_loop3A_90, %parallel_loop3A_91] {strides = array<i32>} : memref<104x256xf32, #tpu.memory_space<vmem>>, vector<16xf32>,
        %parallel_loop3A_93 = tpu.pack_subelements %parallel_loop3A_89, %parallel_loop3A_92 {pack_format = #tpu.pack_format<interleaved>, positions = array<i32: 0, 1>} : vector<16xf32>, vector<16xf32> -> vector<32xbf16>
        %parallel_loop3A_94 = vector.bitcast %parallel_loop3A_93 : vector<32xbf16> to vector<16xi32>
        %parallel_loop3A_95 = arith.index_cast %parallel_loop3A_20 : i32 to index
        %parallel_loop3A_96 = arith.constant 96 : index
        %parallel_loop3A_97 = tpu.vector_load %arg7[%parallel_loop3A_95, %parallel_loop3A_96] {strides = array<i32>} : memref<104x128xi32, #tpu.memory_space<vmem>>, vector<16xi32>,
        tpu.vector_store %arg7[%parallel_loop3A_95, %parallel_loop3A_96], %parallel_loop3A_94 {strides = array<i32>} : memref<104x128xi32, #tpu.memory_space<vmem>>, vector<16xi32>,
        %parallel_loop3A_98 = arith.index_cast %parallel_loop3A_20 : i32 to index
        %parallel_loop3A_99 = arith.constant 224 : index
        %parallel_loop3A_100 = tpu.vector_load %arg6[%parallel_loop3A_98, %parallel_loop3A_99] {strides = array<i32>} : memref<104x256xf32, #tpu.memory_space<vmem>>, vector<16xf32>,
        %parallel_loop3A_101 = arith.index_cast %parallel_loop3A_20 : i32 to index
        %parallel_loop3A_102 = arith.constant 240 : index
        %parallel_loop3A_103 = tpu.vector_load %arg6[%parallel_loop3A_101, %parallel_loop3A_102] {strides = array<i32>} : memref<104x256xf32, #tpu.memory_space<vmem>>, vector<16xf32>,
        %parallel_loop3A_104 = tpu.pack_subelements %parallel_loop3A_100, %parallel_loop3A_103 {pack_format = #tpu.pack_format<interleaved>, positions = array<i32: 0, 1>} : vector<16xf32>, vector<16xf32> -> vector<32xbf16>
        %parallel_loop3A_105 = vector.bitcast %parallel_loop3A_104 : vector<32xbf16> to vector<16xi32>
        %parallel_loop3A_106 = arith.index_cast %parallel_loop3A_20 : i32 to index
        %parallel_loop3A_107 = arith.constant 112 : index
        %parallel_loop3A_108 = tpu.vector_load %arg7[%parallel_loop3A_106, %parallel_loop3A_107] {strides = array<i32>} : memref<104x128xi32, #tpu.memory_space<vmem>>, vector<16xi32>,
        tpu.vector_store %arg7[%parallel_loop3A_106, %parallel_loop3A_107], %parallel_loop3A_105 {strides = array<i32>} : memref<104x128xi32, #tpu.memory_space<vmem>>, vector<16xi32>,
      } {sc.loop_unroll_factor = 2 : i64, sc.parallel_access}
      "tpu.region"() ({
        %run_scoped3A = tpu.sem_alloc : memref<!tpu.dma_semaphore, #tpu.memory_space<semaphore_mem>>
        %dma_start3A = arith.constant 0 : i32
        %dma_start3A_20 = arith.constant 0 : i32
        %dma_start3A_21 = tpu.memref_slice %arg7[%dma_start3A, %dma_start3A_20] : memref<104x128xi32, #tpu.memory_space<vmem>> -> memref<8x128xi32, #tpu.memory_space<vmem>>
        %dma_start3A_22 = arith.constant 0 : i32
        %dma_start3A_23 = tpu.memref_slice %arg4[%add3A_16, %dma_start3A_22] : memref<10000x128xi32, #tpu.memory_space<hbm>> -> memref<8x128xi32, #tpu.memory_space<hbm>>
        %dma_start3A_24 = arith.constant 0 : i32
        %dma_start3A_25 = tpu.memref_slice %arg4[%add3A_16, %dma_start3A_24] : memref<10000x128xi32, #tpu.memory_space<hbm>> -> memref<8x128xi32, #tpu.memory_space<hbm>>
        %dma_start3A_26 = arith.constant 0 : i32
        %dma_start3A_27 = arith.constant 0 : i32
        %dma_start3A_28 = tpu.memref_slice %arg7[%dma_start3A_26, %dma_start3A_27] : memref<104x128xi32, #tpu.memory_space<vmem>> -> memref<8x128xi32, #tpu.memory_space<vmem>>
        tpu.enqueue_dma source(%dma_start3A_28 : memref<8x128xi32, #tpu.memory_space<vmem>>) target(%dma_start3A_25 : memref<8x128xi32, #tpu.memory_space<hbm>>) target_semaphore(%run_scoped3A : memref<!tpu.dma_semaphore, #tpu.memory_space<semaphore_mem>>)
        %dma_wait3A = arith.constant 0 : i32
        %dma_wait3A_29 = arith.constant 0 : i32
        %dma_wait3A_30 = tpu.memref_slice %arg7[%dma_wait3A, %dma_wait3A_29] : memref<104x128xi32, #tpu.memory_space<vmem>> -> memref<8x128xi32, #tpu.memory_space<vmem>>
        %dma_wait3A_31 = arith.constant 0 : i32
        %dma_wait3A_32 = tpu.memref_slice %arg4[%add3A_16, %dma_wait3A_31] : memref<10000x128xi32, #tpu.memory_space<hbm>> -> memref<8x128xi32, #tpu.memory_space<hbm>>
        %dma_wait3A_33 = arith.constant 0 : i32
        %dma_wait3A_34 = tpu.memref_slice %arg4[%add3A_16, %dma_wait3A_33] : memref<10000x128xi32, #tpu.memory_space<hbm>> -> memref<8x128xi32, #tpu.memory_space<hbm>>
        %dma_wait3A_35 = arith.constant 0 : i32
        %dma_wait3A_36 = arith.constant 0 : i32
        %dma_wait3A_37 = tpu.memref_slice %arg7[%dma_wait3A_35, %dma_wait3A_36] : memref<104x128xi32, #tpu.memory_space<vmem>> -> memref<8x128xi32, #tpu.memory_space<vmem>>
        tpu.wait_dma2 semaphore(%run_scoped3A : memref<!tpu.dma_semaphore, #tpu.memory_space<semaphore_mem>>) src(%dma_wait3A_37 : memref<8x128xi32, #tpu.memory_space<vmem>>) dst(%dma_wait3A_34 : memref<8x128xi32, #tpu.memory_space<hbm>>)
        tpu.yield
      }) : () -> ()
    } else {
    }
    %mul3A_9 = arith.constant 32 : i32
    %mul3A_10 = arith.muli %add3A, %mul3A_9 : i32
    "tpu.region"() ({
      %run_scoped3A = tpu.sem_alloc : memref<!tpu.dma_semaphore, #tpu.memory_space<semaphore_mem>>
      %dma_start3A = arith.constant 0 : i32
      %dma_start3A_13 = tpu.memref_slice %arg3[%mul3A_10, %dma_start3A] : memref<1024x256xf32, #tpu.memory_space<hbm>> -> memref<32x256xf32, #tpu.memory_space<hbm>>
      %dma_start3A_14 = arith.constant 0 : i32
      %dma_start3A_15 = tpu.memref_slice %arg3[%mul3A_10, %dma_start3A_14] : memref<1024x256xf32, #tpu.memory_space<hbm>> -> memref<32x256xf32, #tpu.memory_space<hbm>>
      tpu.enqueue_dma source(%dma_start3A_15 : memref<32x256xf32, #tpu.memory_space<hbm>>) target(%arg8 : memref<32x256xf32, #tpu.memory_space<vmem>>) target_semaphore(%run_scoped3A : memref<!tpu.dma_semaphore, #tpu.memory_space<semaphore_mem>>)
      %dma_wait3A = arith.constant 0 : i32
      %dma_wait3A_16 = tpu.memref_slice %arg3[%mul3A_10, %dma_wait3A] : memref<1024x256xf32, #tpu.memory_space<hbm>> -> memref<32x256xf32, #tpu.memory_space<hbm>>
      %dma_wait3A_17 = arith.constant 0 : i32
      %dma_wait3A_18 = tpu.memref_slice %arg3[%mul3A_10, %dma_wait3A_17] : memref<1024x256xf32, #tpu.memory_space<hbm>> -> memref<32x256xf32, #tpu.memory_space<hbm>>
      tpu.wait_dma2 semaphore(%run_scoped3A : memref<!tpu.dma_semaphore, #tpu.memory_space<semaphore_mem>>) src(%dma_wait3A_18 : memref<32x256xf32, #tpu.memory_space<hbm>>) dst(%arg8 : memref<32x256xf32, #tpu.memory_space<vmem>>)
      tpu.yield
    }) : () -> ()
    %parallel_loop3A = arith.constant 0 : i32
    %parallel_loop3A_11 = arith.constant 32 : i32
    %parallel_loop3A_12 = arith.constant 1 : i32
    scf.for %parallel_loop3A_13 = %parallel_loop3A to %parallel_loop3A_11 step %parallel_loop3A_12  : i32 {
      %parallel_loop3A_14 = arith.index_cast %parallel_loop3A_13 : i32 to index
      %parallel_loop3A_15 = arith.constant 0 : index
      %parallel_loop3A_16 = tpu.vector_load %arg8[%parallel_loop3A_14, %parallel_loop3A_15] {strides = array<i32>} : memref<32x256xf32, #tpu.memory_space<vmem>>, vector<16xf32>,
      %parallel_loop3A_17 = arith.index_cast %parallel_loop3A_13 : i32 to index
      %parallel_loop3A_18 = arith.constant 16 : index
      %parallel_loop3A_19 = tpu.vector_load %arg8[%parallel_loop3A_17, %parallel_loop3A_18] {strides = array<i32>} : memref<32x256xf32, #tpu.memory_space<vmem>>, vector<16xf32>,
      %parallel_loop3A_20 = tpu.pack_subelements %parallel_loop3A_16, %parallel_loop3A_19 {pack_format = #tpu.pack_format<interleaved>, positions = array<i32: 0, 1>} : vector<16xf32>, vector<16xf32> -> vector<32xbf16>
      %parallel_loop3A_21 = vector.bitcast %parallel_loop3A_20 : vector<32xbf16> to vector<16xi32>
      %parallel_loop3A_22 = arith.index_cast %parallel_loop3A_13 : i32 to index
      %parallel_loop3A_23 = arith.constant 0 : index
      %parallel_loop3A_24 = tpu.vector_load %arg9[%parallel_loop3A_22, %parallel_loop3A_23] {strides = array<i32>} : memref<32x128xi32, #tpu.memory_space<vmem>>, vector<16xi32>,
      tpu.vector_store %arg9[%parallel_loop3A_22, %parallel_loop3A_23], %parallel_loop3A_21 {strides = array<i32>} : memref<32x128xi32, #tpu.memory_space<vmem>>, vector<16xi32>,
      %parallel_loop3A_25 = arith.index_cast %parallel_loop3A_13 : i32 to index
      %parallel_loop3A_26 = arith.constant 32 : index
      %parallel_loop3A_27 = tpu.vector_load %arg8[%parallel_loop3A_25, %parallel_loop3A_26] {strides = array<i32>} : memref<32x256xf32, #tpu.memory_space<vmem>>, vector<16xf32>,
      %parallel_loop3A_28 = arith.index_cast %parallel_loop3A_13 : i32 to index
      %parallel_loop3A_29 = arith.constant 48 : index
      %parallel_loop3A_30 = tpu.vector_load %arg8[%parallel_loop3A_28, %parallel_loop3A_29] {strides = array<i32>} : memref<32x256xf32, #tpu.memory_space<vmem>>, vector<16xf32>,
      %parallel_loop3A_31 = tpu.pack_subelements %parallel_loop3A_27, %parallel_loop3A_30 {pack_format = #tpu.pack_format<interleaved>, positions = array<i32: 0, 1>} : vector<16xf32>, vector<16xf32> -> vector<32xbf16>
      %parallel_loop3A_32 = vector.bitcast %parallel_loop3A_31 : vector<32xbf16> to vector<16xi32>
      %parallel_loop3A_33 = arith.index_cast %parallel_loop3A_13 : i32 to index
      %parallel_loop3A_34 = arith.constant 16 : index
      %parallel_loop3A_35 = tpu.vector_load %arg9[%parallel_loop3A_33, %parallel_loop3A_34] {strides = array<i32>} : memref<32x128xi32, #tpu.memory_space<vmem>>, vector<16xi32>,
      tpu.vector_store %arg9[%parallel_loop3A_33, %parallel_loop3A_34], %parallel_loop3A_32 {strides = array<i32>} : memref<32x128xi32, #tpu.memory_space<vmem>>, vector<16xi32>,
      %parallel_loop3A_36 = arith.index_cast %parallel_loop3A_13 : i32 to index
      %parallel_loop3A_37 = arith.constant 64 : index
      %parallel_loop3A_38 = tpu.vector_load %arg8[%parallel_loop3A_36, %parallel_loop3A_37] {strides = array<i32>} : memref<32x256xf32, #tpu.memory_space<vmem>>, vector<16xf32>,
      %parallel_loop3A_39 = arith.index_cast %parallel_loop3A_13 : i32 to index
      %parallel_loop3A_40 = arith.constant 80 : index
      %parallel_loop3A_41 = tpu.vector_load %arg8[%parallel_loop3A_39, %parallel_loop3A_40] {strides = array<i32>} : memref<32x256xf32, #tpu.memory_space<vmem>>, vector<16xf32>,
      %parallel_loop3A_42 = tpu.pack_subelements %parallel_loop3A_38, %parallel_loop3A_41 {pack_format = #tpu.pack_format<interleaved>, positions = array<i32: 0, 1>} : vector<16xf32>, vector<16xf32> -> vector<32xbf16>
      %parallel_loop3A_43 = vector.bitcast %parallel_loop3A_42 : vector<32xbf16> to vector<16xi32>
      %parallel_loop3A_44 = arith.index_cast %parallel_loop3A_13 : i32 to index
      %parallel_loop3A_45 = arith.constant 32 : index
      %parallel_loop3A_46 = tpu.vector_load %arg9[%parallel_loop3A_44, %parallel_loop3A_45] {strides = array<i32>} : memref<32x128xi32, #tpu.memory_space<vmem>>, vector<16xi32>,
      tpu.vector_store %arg9[%parallel_loop3A_44, %parallel_loop3A_45], %parallel_loop3A_43 {strides = array<i32>} : memref<32x128xi32, #tpu.memory_space<vmem>>, vector<16xi32>,
      %parallel_loop3A_47 = arith.index_cast %parallel_loop3A_13 : i32 to index
      %parallel_loop3A_48 = arith.constant 96 : index
      %parallel_loop3A_49 = tpu.vector_load %arg8[%parallel_loop3A_47, %parallel_loop3A_48] {strides = array<i32>} : memref<32x256xf32, #tpu.memory_space<vmem>>, vector<16xf32>,
      %parallel_loop3A_50 = arith.index_cast %parallel_loop3A_13 : i32 to index
      %parallel_loop3A_51 = arith.constant 112 : index
      %parallel_loop3A_52 = tpu.vector_load %arg8[%parallel_loop3A_50, %parallel_loop3A_51] {strides = array<i32>} : memref<32x256xf32, #tpu.memory_space<vmem>>, vector<16xf32>,
      %parallel_loop3A_53 = tpu.pack_subelements %parallel_loop3A_49, %parallel_loop3A_52 {pack_format = #tpu.pack_format<interleaved>, positions = array<i32: 0, 1>} : vector<16xf32>, vector<16xf32> -> vector<32xbf16>
      %parallel_loop3A_54 = vector.bitcast %parallel_loop3A_53 : vector<32xbf16> to vector<16xi32>
      %parallel_loop3A_55 = arith.index_cast %parallel_loop3A_13 : i32 to index
      %parallel_loop3A_56 = arith.constant 48 : index
      %parallel_loop3A_57 = tpu.vector_load %arg9[%parallel_loop3A_55, %parallel_loop3A_56] {strides = array<i32>} : memref<32x128xi32, #tpu.memory_space<vmem>>, vector<16xi32>,
      tpu.vector_store %arg9[%parallel_loop3A_55, %parallel_loop3A_56], %parallel_loop3A_54 {strides = array<i32>} : memref<32x128xi32, #tpu.memory_space<vmem>>, vector<16xi32>,
      %parallel_loop3A_58 = arith.index_cast %parallel_loop3A_13 : i32 to index
      %parallel_loop3A_59 = arith.constant 128 : index
      %parallel_loop3A_60 = tpu.vector_load %arg8[%parallel_loop3A_58, %parallel_loop3A_59] {strides = array<i32>} : memref<32x256xf32, #tpu.memory_space<vmem>>, vector<16xf32>,
      %parallel_loop3A_61 = arith.index_cast %parallel_loop3A_13 : i32 to index
      %parallel_loop3A_62 = arith.constant 144 : index
      %parallel_loop3A_63 = tpu.vector_load %arg8[%parallel_loop3A_61, %parallel_loop3A_62] {strides = array<i32>} : memref<32x256xf32, #tpu.memory_space<vmem>>, vector<16xf32>,
      %parallel_loop3A_64 = tpu.pack_subelements %parallel_loop3A_60, %parallel_loop3A_63 {pack_format = #tpu.pack_format<interleaved>, positions = array<i32: 0, 1>} : vector<16xf32>, vector<16xf32> -> vector<32xbf16>
      %parallel_loop3A_65 = vector.bitcast %parallel_loop3A_64 : vector<32xbf16> to vector<16xi32>
      %parallel_loop3A_66 = arith.index_cast %parallel_loop3A_13 : i32 to index
      %parallel_loop3A_67 = arith.constant 64 : index
      %parallel_loop3A_68 = tpu.vector_load %arg9[%parallel_loop3A_66, %parallel_loop3A_67] {strides = array<i32>} : memref<32x128xi32, #tpu.memory_space<vmem>>, vector<16xi32>,
      tpu.vector_store %arg9[%parallel_loop3A_66, %parallel_loop3A_67], %parallel_loop3A_65 {strides = array<i32>} : memref<32x128xi32, #tpu.memory_space<vmem>>, vector<16xi32>,
      %parallel_loop3A_69 = arith.index_cast %parallel_loop3A_13 : i32 to index
      %parallel_loop3A_70 = arith.constant 160 : index
      %parallel_loop3A_71 = tpu.vector_load %arg8[%parallel_loop3A_69, %parallel_loop3A_70] {strides = array<i32>} : memref<32x256xf32, #tpu.memory_space<vmem>>, vector<16xf32>,
      %parallel_loop3A_72 = arith.index_cast %parallel_loop3A_13 : i32 to index
      %parallel_loop3A_73 = arith.constant 176 : index
      %parallel_loop3A_74 = tpu.vector_load %arg8[%parallel_loop3A_72, %parallel_loop3A_73] {strides = array<i32>} : memref<32x256xf32, #tpu.memory_space<vmem>>, vector<16xf32>,
      %parallel_loop3A_75 = tpu.pack_subelements %parallel_loop3A_71, %parallel_loop3A_74 {pack_format = #tpu.pack_format<interleaved>, positions = array<i32: 0, 1>} : vector<16xf32>, vector<16xf32> -> vector<32xbf16>
      %parallel_loop3A_76 = vector.bitcast %parallel_loop3A_75 : vector<32xbf16> to vector<16xi32>
      %parallel_loop3A_77 = arith.index_cast %parallel_loop3A_13 : i32 to index
      %parallel_loop3A_78 = arith.constant 80 : index
      %parallel_loop3A_79 = tpu.vector_load %arg9[%parallel_loop3A_77, %parallel_loop3A_78] {strides = array<i32>} : memref<32x128xi32, #tpu.memory_space<vmem>>, vector<16xi32>,
      tpu.vector_store %arg9[%parallel_loop3A_77, %parallel_loop3A_78], %parallel_loop3A_76 {strides = array<i32>} : memref<32x128xi32, #tpu.memory_space<vmem>>, vector<16xi32>,
      %parallel_loop3A_80 = arith.index_cast %parallel_loop3A_13 : i32 to index
      %parallel_loop3A_81 = arith.constant 192 : index
      %parallel_loop3A_82 = tpu.vector_load %arg8[%parallel_loop3A_80, %parallel_loop3A_81] {strides = array<i32>} : memref<32x256xf32, #tpu.memory_space<vmem>>, vector<16xf32>,
      %parallel_loop3A_83 = arith.index_cast %parallel_loop3A_13 : i32 to index
      %parallel_loop3A_84 = arith.constant 208 : index
      %parallel_loop3A_85 = tpu.vector_load %arg8[%parallel_loop3A_83, %parallel_loop3A_84] {strides = array<i32>} : memref<32x256xf32, #tpu.memory_space<vmem>>, vector<16xf32>,
      %parallel_loop3A_86 = tpu.pack_subelements %parallel_loop3A_82, %parallel_loop3A_85 {pack_format = #tpu.pack_format<interleaved>, positions = array<i32: 0, 1>} : vector<16xf32>, vector<16xf32> -> vector<32xbf16>
      %parallel_loop3A_87 = vector.bitcast %parallel_loop3A_86 : vector<32xbf16> to vector<16xi32>
      %parallel_loop3A_88 = arith.index_cast %parallel_loop3A_13 : i32 to index
      %parallel_loop3A_89 = arith.constant 96 : index
      %parallel_loop3A_90 = tpu.vector_load %arg9[%parallel_loop3A_88, %parallel_loop3A_89] {strides = array<i32>} : memref<32x128xi32, #tpu.memory_space<vmem>>, vector<16xi32>,
      tpu.vector_store %arg9[%parallel_loop3A_88, %parallel_loop3A_89], %parallel_loop3A_87 {strides = array<i32>} : memref<32x128xi32, #tpu.memory_space<vmem>>, vector<16xi32>,
      %parallel_loop3A_91 = arith.index_cast %parallel_loop3A_13 : i32 to index
      %parallel_loop3A_92 = arith.constant 224 : index
      %parallel_loop3A_93 = tpu.vector_load %arg8[%parallel_loop3A_91, %parallel_loop3A_92] {strides = array<i32>} : memref<32x256xf32, #tpu.memory_space<vmem>>, vector<16xf32>,
      %parallel_loop3A_94 = arith.index_cast %parallel_loop3A_13 : i32 to index
      %parallel_loop3A_95 = arith.constant 240 : index
      %parallel_loop3A_96 = tpu.vector_load %arg8[%parallel_loop3A_94, %parallel_loop3A_95] {strides = array<i32>} : memref<32x256xf32, #tpu.memory_space<vmem>>, vector<16xf32>,
      %parallel_loop3A_97 = tpu.pack_subelements %parallel_loop3A_93, %parallel_loop3A_96 {pack_format = #tpu.pack_format<interleaved>, positions = array<i32: 0, 1>} : vector<16xf32>, vector<16xf32> -> vector<32xbf16>
      %parallel_loop3A_98 = vector.bitcast %parallel_loop3A_97 : vector<32xbf16> to vector<16xi32>
      %parallel_loop3A_99 = arith.index_cast %parallel_loop3A_13 : i32 to index
      %parallel_loop3A_100 = arith.constant 112 : index
      %parallel_loop3A_101 = tpu.vector_load %arg9[%parallel_loop3A_99, %parallel_loop3A_100] {strides = array<i32>} : memref<32x128xi32, #tpu.memory_space<vmem>>, vector<16xi32>,
      tpu.vector_store %arg9[%parallel_loop3A_99, %parallel_loop3A_100], %parallel_loop3A_98 {strides = array<i32>} : memref<32x128xi32, #tpu.memory_space<vmem>>, vector<16xi32>,
    } {sc.loop_unroll_factor = 2 : i64, sc.parallel_access}
    "tpu.region"() ({
      %run_scoped3A = tpu.sem_alloc : memref<!tpu.dma_semaphore, #tpu.memory_space<semaphore_mem>>
      %dma_start3A = arith.constant 0 : i32
      %dma_start3A_13 = tpu.memref_slice %arg5[%mul3A_10, %dma_start3A] : memref<1024x128xi32, #tpu.memory_space<hbm>> -> memref<32x128xi32, #tpu.memory_space<hbm>>
      %dma_start3A_14 = arith.constant 0 : i32
      %dma_start3A_15 = tpu.memref_slice %arg5[%mul3A_10, %dma_start3A_14] : memref<1024x128xi32, #tpu.memory_space<hbm>> -> memref<32x128xi32, #tpu.memory_space<hbm>>
      tpu.enqueue_dma source(%arg9 : memref<32x128xi32, #tpu.memory_space<vmem>>) target(%dma_start3A_15 : memref<32x128xi32, #tpu.memory_space<hbm>>) target_semaphore(%run_scoped3A : memref<!tpu.dma_semaphore, #tpu.memory_space<semaphore_mem>>)
      %dma_wait3A = arith.constant 0 : i32
      %dma_wait3A_16 = tpu.memref_slice %arg5[%mul3A_10, %dma_wait3A] : memref<1024x128xi32, #tpu.memory_space<hbm>> -> memref<32x128xi32, #tpu.memory_space<hbm>>
      %dma_wait3A_17 = arith.constant 0 : i32
      %dma_wait3A_18 = tpu.memref_slice %arg5[%mul3A_10, %dma_wait3A_17] : memref<1024x128xi32, #tpu.memory_space<hbm>> -> memref<32x128xi32, #tpu.memory_space<hbm>>
      tpu.wait_dma2 semaphore(%run_scoped3A : memref<!tpu.dma_semaphore, #tpu.memory_space<semaphore_mem>>) src(%arg9 : memref<32x128xi32, #tpu.memory_space<vmem>>) dst(%dma_wait3A_18 : memref<32x128xi32, #tpu.memory_space<hbm>>)
      tpu.yield
    }) : () -> ()
    return
  }
}

</mosaic_0001>

<sc_bundles>
// kernel: _pack_tables.3.cloned.1.call-start
scs
__scs_entry_jumppad:
0x0: {  	(pc) =	sbr.rel $0x88, $3  }
0x1: {  	(tag) =	ssettag $0x0;
	lr =	simm.s32 $0x1  }
0x2: {  	[smem:$0x3F9F] =	sst lr;
	_ =	strace $0xD0000000  }
0x3: {  	_ = 	snop  }
0x4: {  	_ = 	snop  }
0x5: {  	_ = 	snop  }
0x6: {  	_ = 	snop  }
0x7: {  	_ = 	snop  }
__scs_overlays_trampoline_lowered:
0x8: {  	[smem:$0x3FAE] =	sst s0  }
0x9: {  	[smem:$0x3FAF] =	sst s1  }
0xa: {  	[smem:$0x3FB0] =	sst s2  }
0xb: {  	[smem:$0x3FB1] =	sst s3  }
0xc: {  	[smem:$0x3FB2] =	sst s4  }
0xd: {  	[smem:$0x3FB3] =	sst s5  }
0xe: {  	[smem:$0x3FB4] =	sst s6  }
0xf: {  	[smem:$0x3FB5] =	sst s7  }
0x10: {  	[smem:$0x3FB6] =	sst s8  }
0x11: {  	[smem:$0x3FB7] =	sst s9;
	s0 =	simm.s32 @!p0 $0x0  }
0x12: {  	s1 =	sld [smem:$0x3F9D];
	s0 =	simm.s32 @p0 $0x1  }
0x13: {  	[smem:$0x3FB8] =	sst s0;
	s0 =	simm.s32 @!p1 $0x0  }
0x14: {  	s2 =	sld [smem:$0x3F9C];
	s0 =	simm.s32 @p1 $0x1  }
0x15: {  	[smem:$0x3FB9] =	sst s0;
	s0 =	simm.s32 @!p2 $0x0  }
0x16: {  	s3 =	sld [smem:$0x3FDB];
	s0 =	simm.s32 @p2 $0x1  }
0x17: {  	s4 =	simm.s32 $0x1BF5;
	[smem:$0x3FBB] =	sst s0  }
0x18: {  	s0 =	sld [smem:$0x3F9E];
	_ =	swait.ge [sflag:s4], $0x0  }
0x19: {  	s7 =	sld [smem:$0x3F9F]  }
0x1a: {  	s8 =	sadd.s32 $0xFFFFE003, lr  }
0x1b: {  	s9 =	sadd.s32 $0xFFFFFEF7, lr;
	s5 =	simm.s32 $0xFFFFFFFF;
	p2 =	slt.u32 s8, $0xFFFFF086  }
0x1c: {  	p1 =	slt.u32 s9, $0xF7A;
	s5 =	simm.s32 @!p2 $0x0  }
0x1d: {  	s5 =	simm.s32 @p1 $0x1;
	p0 =	seq.s32 s7, s2  }
0x1e: {  	s7 =	smul.u32 @!p0 $0xF7A, s2;
	p2 =	seq.s32 @!p0 s5, $0x0  }
0x1f: {  	s9 =	smul.u32 $0xF7A, s1;
	s8 =	simm.s32 @!p0 $0x1BF5;
	p2 =	por !p2, p0  }
0x20: {  	[sflag:s8] =	ssyncset.s32 @!p0 $0xFFFFF086;
	s6 =	sadd.s32 @!p0 s3, s7;
	s7 =	simm.s32 @!p0 $0x108  }
0x21: {  	s3 =	sadd.s32 s3, s9;
	s6 =	sadd.s32 @!p0 $0x88, s6;
	s7 =	simm.s32 @p2 $0x1082  }
0x22: {  	[simem:s7], [sflag:s8] =	dma.local @!p0 [hbm:s6], $0xF7A  }
0x23: {  	s9 =	sor.u32 $0xD0000000, s2;
	s6 =	simm.s32 $0x108;
	_ =	swait.ge @!p0 [sflag:s8], $0x0  }
0x24: {  	s3 =	sadd.s32 $0x88, s3;
	s6 =	simm.s32 @!p1 $0x1082;
	[sflag:s4] =	ssyncset.s32 $0xFFFFF086  }
0x25: {  	[simem:s6], [sflag:s4] =	dma.local [hbm:s3], $0xF7A  }
0x26: {  	[smem:$0x3F9F] =	sst s1;
	(tag) =	ssettag s2;
	_ =	strace s9  }
0x27: {  	s1 =	sld [smem:$0x3FAF]  }
0x28: {  	s2 =	sld [smem:$0x3FB0]  }
0x29: {  	s4 =	sld [smem:$0x3FB2]  }
0x2a: {  	p0 =	seq.s32 s5, $0x0;
	s5 =	sld [smem:$0x3FB3]  }
0x2b: {  	s6 =	sld [smem:$0x3FB4]  }
0x2c: {  	s7 =	sld [smem:$0x3FB5]  }
0x2d: {  	s3 =	simm.s32 $0x108;
	s8 =	sld [smem:$0x3FB6]  }
0x2e: {  	s3 =	simm.s32 @!p0 $0x1082;
	s9 =	sld [smem:$0x3FB7]  }
0x2f: {  	lr =	sadd.s32 s0, s3;
	s0 =	sld [smem:$0x3FAE]  }
0x30: {  	s3 =	sld [smem:$0x3FB1]  }
0x31: {  	[smem:$0x3FBA] =	sst s10  }
0x32: {  	s10 =	sld [smem:$0x3FB8];
	_ =	sdelay $0x3  }
0x33: {  	p0 =	seq.s32 s10, $0x1;
	s10 =	sld [smem:$0x3FBA];
	_ =	sdelay $0x3  }
0x34: {  	[smem:$0x3FBA] =	sst s10  }
0x35: {  	s10 =	sld [smem:$0x3FB9];
	_ =	sdelay $0x3  }
0x36: {  	p1 =	seq.s32 s10, $0x1;
	s10 =	sld [smem:$0x3FBA];
	_ =	sdelay $0x3  }
0x37: {  	[smem:$0x3FBA] =	sst s10  }
0x38: {  	s10 =	sld [smem:$0x3FBB]  }
0x39: {  	_ = 	snop;
	(pc) =	sbr.ind lr, $3  }
0x3a: {  	_ = 	snop  }
0x3b: {  	_ = 	snop  }
0x3c: {  	p2 =	seq.s32 s10, $0x1;
	s10 =	sld [smem:$0x3FBA]  }
0x3d: {  	_ =	shalt  }
0x3e: {  	_ =	shalt  }
0x3f: {  	_ =	shalt  }
0x40: {  	_ =	shalt  }
0x41: {  	_ =	shalt  }
0x42: {  	_ =	shalt  }
0x43: {  	_ =	shalt  }
0x44: {  	_ =	shalt  }
0x45: {  	_ =	shalt  }
0x46: {  	_ =	shalt  }
0x47: {  	_ =	shalt  }
0x48: {  	_ =	shalt  }
0x49: {  	_ =	shalt  }
0x4a: {  	_ =	shalt  }
0x4b: {  	_ =	shalt  }
0x4c: {  	_ =	shalt  }
0x4d: {  	_ =	shalt  }
0x4e: {  	_ =	shalt  }
0x4f: {  	_ =	shalt  }
0x50: {  	_ =	shalt  }
0x51: {  	_ =	shalt  }
0x52: {  	_ =	shalt  }
0x53: {  	_ =	shalt  }
0x54: {  	_ =	shalt  }
0x55: {  	_ =	shalt  }
0x56: {  	_ =	shalt  }
0x57: {  	_ =	shalt  }
0x58: {  	_ =	shalt  }
0x59: {  	_ =	shalt  }
0x5a: {  	_ =	shalt  }
0x5b: {  	_ =	shalt  }
0x5c: {  	_ =	shalt  }
0x5d: {  	_ =	shalt  }
0x5e: {  	_ =	shalt  }
0x5f: {  	_ =	shalt  }
0x60: {  	_ =	shalt  }
0x61: {  	_ =	shalt  }
0x62: {  	_ =	shalt  }
0x63: {  	_ =	shalt  }
0x64: {  	_ =	shalt  }
0x65: {  	_ =	shalt  }
0x66: {  	_ =	shalt  }
0x67: {  	_ =	shalt  }
0x68: {  	_ =	shalt  }
0x69: {  	_ =	shalt  }
0x6a: {  	_ =	shalt  }
0x6b: {  	_ =	shalt  }
0x6c: {  	_ =	shalt  }
0x6d: {  	_ =	shalt  }
0x6e: {  	_ =	shalt  }
0x6f: {  	_ =	shalt  }
0x70: {  	_ =	shalt  }
0x71: {  	_ =	shalt  }
0x72: {  	_ =	shalt  }
0x73: {  	_ =	shalt  }
0x74: {  	_ =	shalt  }
0x75: {  	_ =	shalt  }
0x76: {  	_ =	shalt  }
0x77: {  	_ =	shalt  }
0x78: {  	_ =	shalt  }
0x79: {  	_ =	shalt  }
0x7a: {  	_ =	shalt  }
0x7b: {  	_ =	shalt  }
0x7c: {  	_ =	shalt  }
0x7d: {  	_ =	shalt  }
0x7e: {  	_ =	shalt  }
0x7f: {  	_ =	shalt  }
0x80: {  	_ =	shalt  }
0x81: {  	_ =	shalt  }
0x82: {  	_ =	shalt  }
0x83: {  	_ =	shalt  }
0x84: {  	_ =	shalt  }
0x85: {  	_ =	shalt  }
0x86: {  	_ =	shalt  }
0x87: {  	_ =	shalt  }
.Lfunc_end0:
.L_simem_size_0:
called_computation_lowered:
.L_overlay_start_0:
0x88: {  	s2 =	sld [smem:$0x3FD9]  }
0x89: {  	s3 =	sld [smem:$0x3FFE];
	_ =	sdelay $0x1  }
0x8a: {  	s1 =	srdreg.scid  }
0x8b: {  	s0 =	sand.u32 $0x1, s1  }
0x8c: {  	s15 =	sshll.u32 s0, $0xA;
	s2 =	sadd.s32 s3, s2  }
0x8d: {  	s2 =	sadd.s32 s2, s15  }
0x8e: {  	[smem:$0x3FC6] =	sst s2  }
0x8f: {  	_ = 	snop  }
0x90: {  	s2 =	sld [smem:$0x3FD0];
	_ =	sdelay $0x1  }
0x91: {  	s16 =	sld [smem:$0x3FC9]  }
0x92: {  	s5 =	simm.s32 $0xA;
	s6 =	simm.s32 $0x10;
	s4 =	sld [smem:$0x3FC8]  }
0x93: {  	[smem:s6], [sflag:s5] =	dma.local [hbm:s2], $0x1  }
0x94: {  	_ =	swait.eq [sflag:s5], $0x1  }
0x95: {  	[sflag:s5] =	ssyncset.done $0x0  }
0x96: {  	s17 =	sld [smem:$0x10];
	[sflag:s5] =	ssyncadd.s32 $0xFFFFFFFF  }
0x97: {  	s18 =	sld [smem:$0x11];
	(tm) =	ssettm $0x1  }
0x98: {  	s19 =	sld [smem:$0x3FFB];
	_ =	sdelay $0x3  }
0x99: {  	_ =	strace s19  }
0x9a: {  	s6 =	sld [smem:$0x3FFC];
	_ =	sdelay $0x3  }
0x9b: {  	_ =	strace s6  }
0x9c: {  	s6 =	sld [smem:$0x3FFD];
	_ =	sdelay $0x3  }
0x9d: {  	_ =	strace s6  }
0x9e: {  	_ =	strace $0x8FFFFFFF  }
0x9f: {  	s20 =	sld [smem:$0x3FDB];
	_ =	sdelay $0x1  }
0xa0: {  	s7 =	simm.s32 $_scs_section_size  }
0xa1: {  	s8 =	simm.s32 $_size__tile_overlayer_lowered;
	s9 =	simm.s32 $_tile_overlayer_lowered  }
0xa2: {  	s23 =	simm.s32 $0x1BFF;
	s22 =	sshll.u32 s9, $0x1;
	s6 =	sadd.s32 s7, s20  }
0xa3: {  	s10 =	simm.s32 $0x0;
	s21 =	sshll.u32 s8, $0x1;
	s8 =	sadd.s32 s22, s6  }
0xa4: {  	[timem:s10], [sflag:s23] =	dma.local [hbm:s8], s21  }
0xa5: {  	_ =	swait.ge [sflag:s23], s21  }
0xa6: {  	s7 =	ssub.s32 $0x0, s21;
	[sflag:s23] =	ssyncset.done $0x0  }
0xa7: {  	[sflag:s23] =	ssyncadd.s32 s7;
	_ =	sdelay $0x1  }
0xa8: {  	s24 =	simm.s32 $0x1B8B  }
0xa9: {  	_ =	swait.ge [sflag:s24], $0x1  }
0xaa: {  	[sflag:s24] =	ssyncset.done $0x0  }
0xab: {  	s25 =	simm.s32 $0x1B8E;
	[sflag:s24] =	ssyncadd.s32 $0xFFFFFFFF  }
0xac: {  	s26 =	simm.s32 $execute0_lowered;
	[smem:$0x3FD2] =	sst s25  }
0xad: {  	s7 =	sshll.u32 s26, $0x1;
	_ =	strace $0x80000046;
	[dreg:$0x1] =	wrdreg $0xFFFFFFFF  }
0xae: {  	s28 =	simm.s32 $_size_execute0_lowered;
	s6 =	sadd.s32 s6, s7;
	[dreg:$0x0] =	wrdreg $0x0  }
0xaf: {  	s7 =	sshll.u32 s28, $0x1;
	[dreg:$0x2] =	wrdreg s6  }
0xb0: {  	[dreg:$0x3] =	wrdreg s7  }
0xb1: {  	[dreg:$0x4] =	wrdreg $0xC0  }
0xb2: {  	_ =	task [dreg:s10], $0x5FFFF  }
0xb3: {  	[dreg:$0x1] =	wrdreg $0xFFFFFFFF  }
0xb4: {  	[dreg:$0x0] =	wrdreg $0x60  }
0xb5: {  	[dreg:$0x2] =	wrdreg s16  }
0xb6: {  	[dreg:$0x3] =	wrdreg s4  }
0xb7: {  	[dreg:$0x4] =	wrdreg s17  }
0xb8: {  	[dreg:$0x5] =	wrdreg s18  }
0xb9: {  	[dreg:$0x6] =	wrdreg $0x9  }
0xba: {  	_ =	task.clear_ibuf [dreg:s10], $0x7FFFF;
	_ =	strace $0x90000046  }
0xbb: {  	s29 =	simm.s32 $0x9;
	_ =	strace $0x80000048  }
0xbc: {  	_ =	swait.ge [sflag:s29], $0x1  }
0xbd: {  	[sflag:s29] =	ssyncadd.s32 $0xFFFFFFFF  }
0xbe: {  	_ =	strace $0x90000048  }
0xbf: {  	_ =	sfence  }
0xc0: {  	s30 =	sld [smem:$0x0];
	_ =	sdelay $0x2  }
0xc1: {  	s31 =	sshll.u32 s1, $0xD;
	s1 =	sshrl.u32 s1, $0x2  }
0xc2: {  	s3 =	sand.u32 $0x4000, s31;
	s1 =	sadd.s32 s1, s30  }
0xc3: {  	s0 =	sor.u32 s3, s0;
	s1 =	sshll.u32 s1, $0x11  }
0xc4: {  	s0 =	sor.u32 s1, s0  }
0xc5: {  	s0 =	sadd.s32 $0x8F2B, s0  }
0xc6: {  	[sflag:s0] =	ssyncadd.remote.s32 $0x1  }
0xc7: {  	_ =	sfence.sel $0xFFFF  }
0xc8: {  	[dreg:$0x0] =	wrdreg $0xFFFFFFFF;
	(pc) =	sbr.abs _section_cstart, $3  }
0xc9: {  	[dreg:$0x1] =	wrdreg $0xFFFFFFFF  }
0xca: {  	_ =	task.clear_ibuf [dreg:s10], $0x2FFFF;
	_ =	strace $0x9FFFFFFF  }
0xcb: {  	(tm) =	ssettm $0x7FFFFFFF  }
tec
execute0_lowered:
.L_overlay_start_1:
0x0: {  	(tag) =	ssettag $0x1  }
0x1: {  	s1 =	rddreg [dreg:$0x0]  }
0x2: {  	s7 =	rddreg [dreg:$0x1]  }
0x3: {  	s2 =	rddreg [dreg:$0x2]  }
0x4: {  	s8 =	rddreg [dreg:$0x3]  }
0x5: {  	s0 =	rddreg [dreg:$0x4];
	s3 =	simm.s32 $0x0  }
0x6: {  	s4 =	srdreg.scid;
	s12 =	stileid.u32;
	s13 =	simm.s32 $0xBC00  }
0x7: {  	s14 =	simm.s32 $0x0;
	[smem:$0x7FF] =	sst s3;
	s4 =	sand.u32 $0x1, s4  }
0x8: {  	s9 =	sshll.u32 s12, $0x1;
	p0 =	sne.s32 s12, $0x0;
	s12 =	simm.s32 $0x9C00  }
0x9: {  	_ =	strace $0x80000047;
	s5 =	ssub.s32 $0x2, s4;
	s10 =	sor.u32 $0x4E0, s4  }
0xa: {  	s9 =	sor.u32 s4, s9;
	s6 =	sshrl.u32 s5, $0x1;
	s29 =	sshll.u32 s10, $0x8  }
0xb: {  	s4 =	smul.u32 $0x138, s9;
	s30 =	sshll.u32 s10, $0x7;
	s31 =	sshll.u32 s9, $0xA  }
0xc: {  	s9 =	sshll.u32 s9, $0x9;
	s10 =	simm.s32 $0x1;
	s11 =	ssub.s32 s5, s6  }
0xd: {  	s5 =	sadd.s32 s1, s29;
	s6 =	sadd.s32 s2, s30;
	s7 =	sadd.s32 s7, s31  }
0xe: {  	s8 =	sadd.s32 s8, s9;
	s9 =	smax.u32 s11, $0x1;
	s11 =	simm.s32 $0x6800  }
.LBB2_1:
0xf: {  	s15 =	simm.s32 $0x0  }
.LBB2_2:
0x10: {  	s16 =	smul.u32 $0x68, s15;
	_ =	sdelay $0x1  }
0x11: {  	s16 =	sadd.s32 s4, s16  }
0x12: {  	s17 =	sshll.u32 s16, $0x5  }
0x13: {  	s18 =	simm.s32 $0x0;
	s17 =	sadd.s32 s1, s17  }
0x14: {  	[tilespmem:s18], [sflag:$0x1] =	stream.linear.gather [hbm4b:s17+s18], $0x6800, $0x38;
	[tilespmem:$0xCC00] =	vst v63  }
0x15: {  	s30 =	simm.s32 $0x0;
	_ =	swait.ge [sflag:s10], $0x6800  }
0x16: {  	s18 =	sand.u32 $0x7800, s18;
	s17 =	sand.u32 $0x300, s30;
	[sflag:s10] =	ssyncset.done $0x0  }
0x17: {  	s23 =	sor.u32 s17, s18;
	[sflag:s10] =	ssyncadd.s32 $0xFFFF9800  }
0x18: {  	v0 =	vld [tilespmem:s23+$0x0]  }
0x19: {  	s31 =	simm.s32 $0x80;
	v1 =	vld [tilespmem:s23+$0x10]  }
0x1a: {  	s17 =	sand.u32 $0x380, s31  }
0x1b: {  	s18 =	sor.u32 s17, s18  }
0x1c: {  	v2 =	vld [tilespmem:s18+$0x0]  }
0x1d: {  	v3 =	vld [tilespmem:s18+$0x10]  }
0x1e: {  	s17 =	simm.s32 $0x6880;
	v0 =	vpack.i.f32.bf16 v1, v0  }
0x1f: {  	[tilespmem:s17+$0xFFFFFF80] =	vst v0  }
0x20: {  	v0 =	vld [tilespmem:s23+$0x20]  }
0x21: {  	v1 =	vld [tilespmem:s23+$0x30]  }
0x22: {  	v2 =	vpack.i.f32.bf16 v3, v2  }
0x23: {  	[tilespmem:s17+$0x0] =	vst v2  }
0x24: {  	v2 =	vld [tilespmem:s18+$0x20]  }
0x25: {  	v3 =	vld [tilespmem:s18+$0x30]  }
0x26: {  	v0 =	vpack.i.f32.bf16 v1, v0  }
0x27: {  	[tilespmem:s17+$0xFFFFFF90] =	vst v0  }
0x28: {  	v0 =	vld [tilespmem:s23+$0x40]  }
0x29: {  	v1 =	vld [tilespmem:s23+$0x50]  }
0x2a: {  	v2 =	vpack.i.f32.bf16 v3, v2  }
0x2b: {  	[tilespmem:s17+$0x10] =	vst v2  }
0x2c: {  	v2 =	vld [tilespmem:s18+$0x40]  }
0x2d: {  	v3 =	vld [tilespmem:s18+$0x50]  }
0x2e: {  	v0 =	vpack.i.f32.bf16 v1, v0  }
0x2f: {  	[tilespmem:s17+$0xFFFFFFA0] =	vst v0  }
0x30: {  	v0 =	vld [tilespmem:s23+$0x60]  }
0x31: {  	v1 =	vld [tilespmem:s23+$0x70]  }
0x32: {  	v2 =	vpack.i.f32.bf16 v3, v2  }
0x33: {  	s19 =	simm.s32 $0x100;
	s22 =	simm.s32 $0x200;
	[tilespmem:s17+$0x20] =	vst v2  }
0x34: {  	s20 =	sand.u32 $0x7800, s22;
	s19 =	sand.u32 $0x300, s19;
	v2 =	vld [tilespmem:s18+$0x60]  }
0x35: {  	s19 =	sor.u32 s19, s20;
	v3 =	vld [tilespmem:s18+$0x70]  }
0x36: {  	v0 =	vpack.i.f32.bf16 v1, v0;
	v1 =	vld [tilespmem:s19+$0x0]  }
0x37: {  	s21 =	simm.s32 $0x180;
	[tilespmem:s17+$0xFFFFFFB0] =	vst v0;
	v0 =	vld [tilespmem:s19+$0x10]  }
0x38: {  	s21 =	sand.u32 $0x380, s21;
	v4 =	vld [tilespmem:s23+$0x400]  }
0x39: {  	s21 =	sor.u32 s21, s20;
	v5 =	vld [tilespmem:s23+$0x410]  }
0x3a: {  	v2 =	vpack.i.f32.bf16 v3, v2;
	v3 =	vld [tilespmem:s21+$0x0]  }
0x3b: {  	[tilespmem:s17+$0x30] =	vst v2;
	v2 =	vld [tilespmem:s21+$0x10]  }
0x3c: {  	s20 =	simm.s32 $0x6980;
	v0 =	vpack.i.f32.bf16 v0, v1;
	v1 =	vld [tilespmem:s18+$0x400]  }
0x3d: {  	[tilespmem:s20+$0xFFFFFF80] =	vst v0;
	v0 =	vld [tilespmem:s18+$0x410]  }
0x3e: {  	v4 =	vpack.i.f32.bf16 v5, v4;
	v6 =	vld [tilespmem:s19+$0x20]  }
0x3f: {  	v5 =	vld [tilespmem:s19+$0x30];
	[tilespmem:s17+$0xFFFFFFC0] =	vst v4  }
0x40: {  	v2 =	vpack.i.f32.bf16 v2, v3;
	v3 =	vld [tilespmem:s23+$0x420]  }
0x41: {  	[tilespmem:s20+$0x0] =	vst v2;
	v2 =	vld [tilespmem:s23+$0x430]  }
0x42: {  	v4 =	vld [tilespmem:s21+$0x20];
	v0 =	vpack.i.f32.bf16 v0, v1  }
0x43: {  	v1 =	vld [tilespmem:s21+$0x30];
	[tilespmem:s17+$0x40] =	vst v0  }
0x44: {  	v0 =	vpack.i.f32.bf16 v5, v6;
	v5 =	vld [tilespmem:s18+$0x420]  }
0x45: {  	[tilespmem:s20+$0xFFFFFF90] =	vst v0;
	v0 =	vld [tilespmem:s18+$0x430]  }
0x46: {  	v2 =	vpack.i.f32.bf16 v2, v3;
	v6 =	vld [tilespmem:s19+$0x40]  }
0x47: {  	v3 =	vld [tilespmem:s19+$0x50];
	[tilespmem:s17+$0xFFFFFFD0] =	vst v2  }
0x48: {  	v1 =	vpack.i.f32.bf16 v1, v4;
	v4 =	vld [tilespmem:s23+$0x440]  }
0x49: {  	[tilespmem:s20+$0x10] =	vst v1;
	v1 =	vld [tilespmem:s23+$0x450]  }
0x4a: {  	v7 =	vld [tilespmem:s21+$0x40];
	v0 =	vpack.i.f32.bf16 v0, v5  }
0x4b: {  	v5 =	vld [tilespmem:s21+$0x50];
	[tilespmem:s17+$0x50] =	vst v0  }
0x4c: {  	v0 =	vpack.i.f32.bf16 v3, v6;
	v6 =	vld [tilespmem:s18+$0x440]  }
0x4d: {  	[tilespmem:s20+$0xFFFFFFA0] =	vst v0;
	v8 =	vld [tilespmem:s18+$0x450]  }
0x4e: {  	v2 =	vld [tilespmem:s19+$0x60];
	v0 =	vpack.i.f32.bf16 v1, v4  }
0x4f: {  	v3 =	vld [tilespmem:s19+$0x70];
	[tilespmem:s17+$0xFFFFFFE0] =	vst v0  }
0x50: {  	v1 =	vpack.i.f32.bf16 v5, v7;
	v0 =	vld [tilespmem:s23+$0x460]  }
0x51: {  	[tilespmem:s20+$0x20] =	vst v1;
	v1 =	vld [tilespmem:s23+$0x470]  }
0x52: {  	s24 =	simm.s32 $0x280;
	s23 =	simm.s32 $0x2;
	v4 =	vld [tilespmem:s21+$0x60];
	v5 =	vpack.i.f32.bf16 v8, v6  }
.LBB2_3:
0x53: {  	s25 =	sadd.s32 $0xFFFFFF80, s24;
	s26 =	sand.u32 $0x380, s24;
	v6 =	vld [tilespmem:s21+$0x70];
	s22 =	sadd.s32 $0x200, s22;
	[tilespmem:s17+$0x60] =	vst v5  }
0x54: {  	s28 =	sand.u32 $0x7800, s22;
	s25 =	sand.u32 $0x300, s25;
	v5 =	vld [tilespmem:s18+$0x460]  }
0x55: {  	v2 =	vpack.i.f32.bf16 v3, v2;
	s25 =	sor.u32 s25, s28;
	v3 =	vld [tilespmem:s18+$0x470];
	s18 =	smov.u32 s21;
	s21 =	sor.u32 s26, s28  }
0x56: {  	v7 =	vld [tilespmem:s25+$0x0];
	[tilespmem:s20+$0xFFFFFFB0] =	vst v2;
	v0 =	vpack.i.f32.bf16 v1, v0  }
0x57: {  	v1 =	vld [tilespmem:s25+$0x10];
	[tilespmem:s17+$0xFFFFFFF0] =	vst v0  }
0x58: {  	v0 =	vld [tilespmem:s19+$0x400];
	v2 =	vpack.i.f32.bf16 v6, v4  }
0x59: {  	v4 =	vld [tilespmem:s19+$0x410];
	[tilespmem:s20+$0x30] =	vst v2  }
0x5a: {  	v2 =	vld [tilespmem:s21+$0x0];
	v3 =	vpack.i.f32.bf16 v3, v5  }
0x5b: {  	v5 =	vld [tilespmem:s21+$0x10];
	[tilespmem:s17+$0x70] =	vst v3;
	s17 =	smov.u32 s20  }
0x5c: {  	s20 =	sadd.s32 $0x100, s20;
	v1 =	vpack.i.f32.bf16 v1, v7;
	v3 =	vld [tilespmem:s18+$0x400]  }
0x5d: {  	s23 =	sadd.s32 $0x2, s23;
	[tilespmem:s20+$0xFFFFFF80] =	vst v1;
	v1 =	vld [tilespmem:s18+$0x410]  }
0x5e: {  	p1 =	slt.u32 s23, $0x66;
	v6 =	vld [tilespmem:s25+$0x20];
	v0 =	vpack.i.f32.bf16 v4, v0  }
0x5f: {  	v4 =	vld [tilespmem:s25+$0x30];
	[tilespmem:s17+$0xFFFFFFC0] =	vst v0  }
0x60: {  	v0 =	vpack.i.f32.bf16 v5, v2;
	v2 =	vld [tilespmem:s19+$0x420]  }
0x61: {  	[tilespmem:s20+$0x0] =	vst v0;
	v0 =	vld [tilespmem:s19+$0x430]  }
0x62: {  	v5 =	vld [tilespmem:s21+$0x20];
	v1 =	vpack.i.f32.bf16 v1, v3  }
0x63: {  	v3 =	vld [tilespmem:s21+$0x30];
	[tilespmem:s17+$0x40] =	vst v1  }
0x64: {  	v1 =	vpack.i.f32.bf16 v4, v6;
	v4 =	vld [tilespmem:s18+$0x420]  }
0x65: {  	[tilespmem:s20+$0xFFFFFF90] =	vst v1;
	v1 =	vld [tilespmem:s18+$0x430]  }
0x66: {  	v6 =	vld [tilespmem:s25+$0x40];
	v0 =	vpack.i.f32.bf16 v0, v2  }
0x67: {  	v2 =	vld [tilespmem:s25+$0x50];
	[tilespmem:s17+$0xFFFFFFD0] =	vst v0  }
0x68: {  	v0 =	vpack.i.f32.bf16 v3, v5;
	v3 =	vld [tilespmem:s19+$0x440]  }
0x69: {  	[tilespmem:s20+$0x10] =	vst v0;
	v0 =	vld [tilespmem:s19+$0x450]  }
0x6a: {  	v5 =	vld [tilespmem:s21+$0x40];
	v1 =	vpack.i.f32.bf16 v1, v4  }
0x6b: {  	v4 =	vld [tilespmem:s21+$0x50];
	[tilespmem:s17+$0x50] =	vst v1  }
0x6c: {  	v1 =	vpack.i.f32.bf16 v2, v6;
	v6 =	vld [tilespmem:s18+$0x440]  }
0x6d: {  	[tilespmem:s20+$0xFFFFFFA0] =	vst v1;
	v7 =	vld [tilespmem:s18+$0x450]  }
.Ltmp0:
0x6e: {  	v2 =	vld [tilespmem:s25+$0x60];
	v0 =	vpack.i.f32.bf16 v0, v3;
	(pc) =	sbr.rel @p1 .LBB2_3-.Ltmp0, $4  }
0x6f: {  	v3 =	vld [tilespmem:s25+$0x70];
	[tilespmem:s17+$0xFFFFFFE0] =	vst v0  }
0x70: {  	v1 =	vpack.i.f32.bf16 v4, v5;
	v0 =	vld [tilespmem:s19+$0x460]  }
0x71: {  	[tilespmem:s20+$0x20] =	vst v1;
	v1 =	vld [tilespmem:s19+$0x470];
	s19 =	smov.u32 s25  }
0x72: {  	s24 =	sadd.s32 $0x100, s24;
	v4 =	vld [tilespmem:s21+$0x60];
	v5 =	vpack.i.f32.bf16 v7, v6  }
0x73: {  	v6 =	vld [tilespmem:s21+$0x70];
	_ =	sdelay $0x2  }
0x74: {  	v2 =	vpack.i.f32.bf16 v3, v2  }
0x75: {  	[tilespmem:s20+$0xFFFFFFB0] =	vst v2  }
0x76: {  	v2 =	vld [tilespmem:s19+$0x400];
	v52 =	vpack.i.f32.bf16 v6, v4  }
0x77: {  	v53 =	vld [tilespmem:s19+$0x410];
	[tilespmem:s20+$0x30] =	vst v52  }
0x78: {  	v3 =	vld [tilespmem:s21+$0x400]  }
0x79: {  	v54 =	vld [tilespmem:s21+$0x410];
	_ =	sdelay $0x2  }
0x7a: {  	v2 =	vpack.i.f32.bf16 v53, v2  }
0x7b: {  	[tilespmem:s20+$0xFFFFFFC0] =	vst v2  }
0x7c: {  	v2 =	vld [tilespmem:s19+$0x420];
	v3 =	vpack.i.f32.bf16 v54, v3  }
0x7d: {  	v55 =	vld [tilespmem:s19+$0x430];
	[tilespmem:s20+$0x40] =	vst v3  }
0x7e: {  	v3 =	vld [tilespmem:s21+$0x420]  }
0x7f: {  	v56 =	vld [tilespmem:s21+$0x430];
	_ =	sdelay $0x2  }
0x80: {  	v2 =	vpack.i.f32.bf16 v55, v2  }
0x81: {  	[tilespmem:s20+$0xFFFFFFD0] =	vst v2  }
0x82: {  	v2 =	vld [tilespmem:s19+$0x440];
	v3 =	vpack.i.f32.bf16 v56, v3  }
0x83: {  	v57 =	vld [tilespmem:s19+$0x450];
	[tilespmem:s20+$0x50] =	vst v3  }
0x84: {  	v3 =	vld [tilespmem:s21+$0x440]  }
0x85: {  	v58 =	vld [tilespmem:s21+$0x450];
	_ =	sdelay $0x1  }
0x86: {  	[tilespmem:s17+$0x60] =	vst v5  }
0x87: {  	v5 =	vld [tilespmem:s18+$0x460];
	v2 =	vpack.i.f32.bf16 v57, v2  }
0x88: {  	v59 =	vld [tilespmem:s18+$0x470];
	[tilespmem:s20+$0xFFFFFFE0] =	vst v2  }
0x89: {  	v2 =	vld [tilespmem:s19+$0x460];
	v3 =	vpack.i.f32.bf16 v58, v3  }
0x8a: {  	v60 =	vld [tilespmem:s19+$0x470];
	[tilespmem:s20+$0x60] =	vst v3  }
0x8b: {  	v3 =	vld [tilespmem:s21+$0x460]  }
0x8c: {  	v7 =	vld [tilespmem:s21+$0x470];
	_ =	sdelay $0x1  }
0x8d: {  	v0 =	vpack.i.f32.bf16 v1, v0  }
0x8e: {  	[tilespmem:s17+$0xFFFFFFF0] =	vst v0;
	v61 =	vpack.i.f32.bf16 v59, v5  }
0x8f: {  	s15 =	sadd.s32 $0x1, s15;
	[tilespmem:s17+$0x70] =	vst v61;
	v62 =	vpack.i.f32.bf16 v60, v2  }
0x90: {  	s16 =	sshll.u32 s16, $0x4;
	p1 =	sne.s32 s15, $0x3;
	[tilespmem:s20+$0xFFFFFFF0] =	vst v62;
	v63 =	vpack.i.f32.bf16 v7, v3  }
.Ltmp1:
0x91: {  	s16 =	sadd.s32 s2, s16;
	[tilespmem:s20+$0x70] =	vst v63;
	(pc) =	sbr.rel @p1 .LBB2_2-.Ltmp1, $4  }
0x92: {  	[hbm4b:s16+s3] =	stream.linear.scatter [tilespmem:s11], [sflag:$0x1], $0x3400, $0x38;
	[tilespmem:$0xCC00] =	vst v63  }
0x93: {  	_ =	swait.ge [sflag:s10], $0x3400  }
0x94: {  	[sflag:s10] =	ssyncset.done $0x0  }
0x95: {  	[sflag:s10] =	ssyncadd.s32 $0xFFFFCC00  }
.Ltmp2:
0x96: {  	(pc) =	sbr.rel @p0 .LBB2_9-.Ltmp2, $1  }
0x97: {  	_ =	sdelay $0x3  }
0x98: {  	[tilespmem:s3], [sflag:$0x1] =	stream.linear.gather [hbm4b:s5+s3], $0x800, $0x38;
	[tilespmem:$0xCC00] =	vst v63  }
0x99: {  	_ =	swait.ge [sflag:s10], $0x800  }
0x9a: {  	[sflag:s10] =	ssyncset.done $0x0  }
0x9b: {  	s20 =	simm.s32 $0x400;
	[sflag:s10] =	ssyncadd.s32 $0xFFFFF800  }
0x9c: {  	v0 =	vld [tilespmem:s20+$0xFFFFFC80]  }
0x9d: {  	v1 =	vld [tilespmem:s20+$0xFFFFFC90];
	_ =	sdelay $0x2  }
0x9e: {  	v2 =	vld [tilespmem:s20+$0xFFFFFC10]  }
0x9f: {  	v3 =	vld [tilespmem:s20+$0xFFFFFC00]  }
0xa0: {  	s15 =	simm.s32 $0x6880;
	v0 =	vpack.i.f32.bf16 v1, v0  }
0xa1: {  	[tilespmem:s15+$0x0] =	vst v0  }
0xa2: {  	v0 =	vld [tilespmem:s20+$0xFFFFFCA0]  }
0xa3: {  	v1 =	vld [tilespmem:s20+$0xFFFFFCB0]  }
0xa4: {  	v2 =	vpack.i.f32.bf16 v2, v3  }
0xa5: {  	[tilespmem:s15+$0xFFFFFF80] =	vst v2  }
0xa6: {  	v2 =	vld [tilespmem:s20+$0xFFFFFC20]  }
0xa7: {  	v3 =	vld [tilespmem:s20+$0xFFFFFC30]  }
0xa8: {  	v0 =	vpack.i.f32.bf16 v1, v0  }
0xa9: {  	[tilespmem:s15+$0x10] =	vst v0  }
0xaa: {  	v0 =	vld [tilespmem:s20+$0xFFFFFCC0]  }
0xab: {  	v1 =	vld [tilespmem:s20+$0xFFFFFCD0]  }
0xac: {  	v2 =	vpack.i.f32.bf16 v3, v2  }
0xad: {  	[tilespmem:s15+$0xFFFFFF90] =	vst v2  }
0xae: {  	v2 =	vld [tilespmem:s20+$0xFFFFFC40]  }
0xaf: {  	v3 =	vld [tilespmem:s20+$0xFFFFFC50]  }
0xb0: {  	v0 =	vpack.i.f32.bf16 v1, v0  }
0xb1: {  	[tilespmem:s15+$0x20] =	vst v0  }
0xb2: {  	v0 =	vld [tilespmem:s20+$0xFFFFFCE0]  }
0xb3: {  	v1 =	vld [tilespmem:s20+$0xFFFFFCF0]  }
0xb4: {  	v2 =	vpack.i.f32.bf16 v3, v2  }
0xb5: {  	[tilespmem:s15+$0xFFFFFFA0] =	vst v2  }
0xb6: {  	v2 =	vld [tilespmem:s20+$0xFFFFFC60]  }
0xb7: {  	s16 =	simm.s32 $0x500;
	v3 =	vld [tilespmem:s20+$0xFFFFFC70]  }
0xb8: {  	v0 =	vpack.i.f32.bf16 v1, v0;
	v1 =	vld [tilespmem:s16+$0xFFFFFC80]  }
0xb9: {  	[tilespmem:s15+$0x30] =	vst v0;
	v0 =	vld [tilespmem:s16+$0xFFFFFC90]  }
0xba: {  	v4 =	vld [tilespmem:s20+$0x80]  }
0xbb: {  	v5 =	vld [tilespmem:s20+$0x90]  }
0xbc: {  	v2 =	vpack.i.f32.bf16 v3, v2;
	v3 =	vld [tilespmem:s16+$0xFFFFFC10]  }
0xbd: {  	[tilespmem:s15+$0xFFFFFFB0] =	vst v2;
	v2 =	vld [tilespmem:s16+$0xFFFFFC00]  }
0xbe: {  	s17 =	simm.s32 $0x6980;
	v0 =	vpack.i.f32.bf16 v0, v1;
	v1 =	vld [tilespmem:s20+$0x0]  }
0xbf: {  	[tilespmem:s17+$0x0] =	vst v0;
	v0 =	vld [tilespmem:s20+$0x10]  }
0xc0: {  	v4 =	vpack.i.f32.bf16 v5, v4;
	v6 =	vld [tilespmem:s16+$0xFFFFFCA0]  }
0xc1: {  	v5 =	vld [tilespmem:s16+$0xFFFFFCB0];
	[tilespmem:s15+$0x40] =	vst v4  }
0xc2: {  	v2 =	vpack.i.f32.bf16 v3, v2;
	v3 =	vld [tilespmem:s20+$0xA0]  }
0xc3: {  	[tilespmem:s17+$0xFFFFFF80] =	vst v2;
	v2 =	vld [tilespmem:s20+$0xB0]  }
0xc4: {  	v4 =	vld [tilespmem:s16+$0xFFFFFC20];
	v0 =	vpack.i.f32.bf16 v0, v1  }
0xc5: {  	v1 =	vld [tilespmem:s16+$0xFFFFFC30];
	[tilespmem:s15+$0xFFFFFFC0] =	vst v0  }
0xc6: {  	v0 =	vpack.i.f32.bf16 v5, v6;
	v5 =	vld [tilespmem:s20+$0x20]  }
0xc7: {  	[tilespmem:s17+$0x10] =	vst v0;
	v0 =	vld [tilespmem:s20+$0x30]  }
0xc8: {  	v2 =	vpack.i.f32.bf16 v2, v3;
	v6 =	vld [tilespmem:s16+$0xFFFFFCC0]  }
0xc9: {  	v3 =	vld [tilespmem:s16+$0xFFFFFCD0];
	[tilespmem:s15+$0x50] =	vst v2  }
0xca: {  	v2 =	vld [tilespmem:s20+$0xC0];
	v1 =	vpack.i.f32.bf16 v1, v4  }
0xcb: {  	[tilespmem:s17+$0xFFFFFF90] =	vst v1;
	v1 =	vld [tilespmem:s20+$0xD0]  }
0xcc: {  	v4 =	vld [tilespmem:s16+$0xFFFFFC40];
	v0 =	vpack.i.f32.bf16 v0, v5  }
0xcd: {  	v5 =	vld [tilespmem:s16+$0xFFFFFC50];
	[tilespmem:s15+$0xFFFFFFD0] =	vst v0  }
0xce: {  	v0 =	vpack.i.f32.bf16 v3, v6;
	v3 =	vld [tilespmem:s20+$0x40]  }
0xcf: {  	[tilespmem:s17+$0x20] =	vst v0;
	v6 =	vld [tilespmem:s20+$0x50]  }
0xd0: {  	v7 =	vld [tilespmem:s16+$0xFFFFFCE0];
	v0 =	vpack.i.f32.bf16 v1, v2  }
0xd1: {  	v8 =	vld [tilespmem:s16+$0xFFFFFCF0];
	[tilespmem:s15+$0x60] =	vst v0  }
0xd2: {  	v1 =	vpack.i.f32.bf16 v5, v4;
	v0 =	vld [tilespmem:s20+$0xE0]  }
0xd3: {  	[tilespmem:s17+$0xFFFFFFA0] =	vst v1;
	v2 =	vld [tilespmem:s20+$0xF0]  }
0xd4: {  	v4 =	vld [tilespmem:s16+$0xFFFFFC60];
	v1 =	vpack.i.f32.bf16 v6, v3  }
0xd5: {  	v5 =	vld [tilespmem:s16+$0xFFFFFC70];
	[tilespmem:s15+$0xFFFFFFE0] =	vst v1  }
0xd6: {  	v1 =	vld [tilespmem:s20+$0x60]  }
0xd7: {  	s18 =	simm.s32 $0x2;
	s19 =	simm.s32 $0x600;
	v6 =	vpack.i.f32.bf16 v8, v7;
	v3 =	vld [tilespmem:s20+$0x70]  }
.LBB2_7:
0xd8: {  	v7 =	vld [tilespmem:s19+$0xFFFFFC80];
	[tilespmem:s17+$0x30] =	vst v6;
	v0 =	vpack.i.f32.bf16 v2, v0  }
0xd9: {  	v2 =	vld [tilespmem:s19+$0xFFFFFC90];
	[tilespmem:s15+$0x70] =	vst v0  }
0xda: {  	v0 =	vpack.i.f32.bf16 v5, v4;
	v4 =	vld [tilespmem:s16+$0x80]  }
0xdb: {  	[tilespmem:s17+$0xFFFFFFB0] =	vst v0;
	v0 =	vld [tilespmem:s16+$0x90]  }
0xdc: {  	v5 =	vld [tilespmem:s19+$0xFFFFFC10];
	v1 =	vpack.i.f32.bf16 v3, v1  }
0xdd: {  	v3 =	vld [tilespmem:s19+$0xFFFFFC00];
	[tilespmem:s15+$0xFFFFFFF0] =	vst v1;
	s15 =	smov.u32 s17  }
0xde: {  	s17 =	sadd.s32 $0x100, s17;
	v1 =	vpack.i.f32.bf16 v2, v7;
	v2 =	vld [tilespmem:s16+$0x0]  }
0xdf: {  	[tilespmem:s17+$0x0] =	vst v1;
	v1 =	vld [tilespmem:s16+$0x10]  }
0xe0: {  	v6 =	vld [tilespmem:s19+$0xFFFFFCA0];
	v0 =	vpack.i.f32.bf16 v0, v4  }
0xe1: {  	v4 =	vld [tilespmem:s19+$0xFFFFFCB0];
	[tilespmem:s15+$0x40] =	vst v0  }
0xe2: {  	s18 =	sadd.s32 $0x2, s18;
	v0 =	vpack.i.f32.bf16 v5, v3;
	v3 =	vld [tilespmem:s16+$0xA0]  }
0xe3: {  	p1 =	slt.u32 s18, $0x6;
	[tilespmem:s17+$0xFFFFFF80] =	vst v0;
	v0 =	vld [tilespmem:s16+$0xB0]  }
0xe4: {  	v5 =	vld [tilespmem:s19+$0xFFFFFC20];
	v1 =	vpack.i.f32.bf16 v1, v2  }
0xe5: {  	v2 =	vld [tilespmem:s19+$0xFFFFFC30];
	[tilespmem:s15+$0xFFFFFFC0] =	vst v1  }
0xe6: {  	v1 =	vpack.i.f32.bf16 v4, v6;
	v4 =	vld [tilespmem:s16+$0x20]  }
0xe7: {  	[tilespmem:s17+$0x10] =	vst v1;
	v1 =	vld [tilespmem:s16+$0x30]  }
0xe8: {  	v6 =	vld [tilespmem:s19+$0xFFFFFCC0];
	v0 =	vpack.i.f32.bf16 v0, v3  }
0xe9: {  	v3 =	vld [tilespmem:s19+$0xFFFFFCD0];
	[tilespmem:s15+$0x50] =	vst v0  }
0xea: {  	v0 =	vpack.i.f32.bf16 v2, v5;
	v2 =	vld [tilespmem:s16+$0xC0]  }
0xeb: {  	[tilespmem:s17+$0xFFFFFF90] =	vst v0;
	v0 =	vld [tilespmem:s16+$0xD0]  }
0xec: {  	v5 =	vld [tilespmem:s19+$0xFFFFFC40];
	v1 =	vpack.i.f32.bf16 v1, v4  }
0xed: {  	v4 =	vld [tilespmem:s19+$0xFFFFFC50];
	[tilespmem:s15+$0xFFFFFFD0] =	vst v1  }
0xee: {  	v1 =	vpack.i.f32.bf16 v3, v6;
	v3 =	vld [tilespmem:s16+$0x40]  }
0xef: {  	[tilespmem:s17+$0x20] =	vst v1;
	v1 =	vld [tilespmem:s16+$0x50]  }
0xf0: {  	v6 =	vld [tilespmem:s19+$0xFFFFFCE0];
	v0 =	vpack.i.f32.bf16 v0, v2  }
0xf1: {  	v7 =	vld [tilespmem:s19+$0xFFFFFCF0];
	[tilespmem:s15+$0x60] =	vst v0  }
0xf2: {  	v2 =	vpack.i.f32.bf16 v4, v5;
	v0 =	vld [tilespmem:s16+$0xE0]  }
.Ltmp3:
0xf3: {  	[tilespmem:s17+$0xFFFFFFA0] =	vst v2;
	v2 =	vld [tilespmem:s16+$0xF0];
	(pc) =	sbr.rel @p1 .LBB2_7-.Ltmp3, $4  }
0xf4: {  	v4 =	vld [tilespmem:s19+$0xFFFFFC60];
	v1 =	vpack.i.f32.bf16 v1, v3  }
0xf5: {  	v5 =	vld [tilespmem:s19+$0xFFFFFC70];
	[tilespmem:s15+$0xFFFFFFE0] =	vst v1  }
0xf6: {  	v1 =	vld [tilespmem:s16+$0x60]  }
0xf7: {  	v6 =	vpack.i.f32.bf16 v7, v6;
	v3 =	vld [tilespmem:s16+$0x70];
	s16 =	smov.u32 s19;
	s19 =	sadd.s32 $0x100, s19  }
0xf8: {  	_ = 	snop  }
0xf9: {  	[tilespmem:s17+$0x30] =	vst v6  }
0xfa: {  	v51 =	vld [tilespmem:s16+$0x80];
	v4 =	vpack.i.f32.bf16 v5, v4  }
0xfb: {  	v52 =	vld [tilespmem:s16+$0x90];
	[tilespmem:s17+$0xFFFFFFB0] =	vst v4  }
0xfc: {  	v53 =	vld [tilespmem:s16+$0x0]  }
0xfd: {  	v7 =	vld [tilespmem:s16+$0x10];
	_ =	sdelay $0x2  }
0xfe: {  	v4 =	vpack.i.f32.bf16 v52, v51  }
0xff: {  	[tilespmem:s17+$0x40] =	vst v4  }
0x100: {  	v4 =	vld [tilespmem:s16+$0xA0];
	v54 =	vpack.i.f32.bf16 v7, v53  }
0x101: {  	v55 =	vld [tilespmem:s16+$0xB0];
	[tilespmem:s17+$0xFFFFFFC0] =	vst v54  }
0x102: {  	v5 =	vld [tilespmem:s16+$0x20]  }
0x103: {  	v56 =	vld [tilespmem:s16+$0x30];
	_ =	sdelay $0x2  }
0x104: {  	v4 =	vpack.i.f32.bf16 v55, v4  }
0x105: {  	[tilespmem:s17+$0x50] =	vst v4  }
0x106: {  	v4 =	vld [tilespmem:s16+$0xC0];
	v5 =	vpack.i.f32.bf16 v56, v5  }
0x107: {  	v57 =	vld [tilespmem:s16+$0xD0];
	[tilespmem:s17+$0xFFFFFFD0] =	vst v5  }
0x108: {  	v5 =	vld [tilespmem:s16+$0x40]  }
0x109: {  	v58 =	vld [tilespmem:s16+$0x50];
	_ =	sdelay $0x2  }
0x10a: {  	v4 =	vpack.i.f32.bf16 v57, v4  }
0x10b: {  	[tilespmem:s17+$0x60] =	vst v4  }
0x10c: {  	v4 =	vld [tilespmem:s16+$0xE0];
	v5 =	vpack.i.f32.bf16 v58, v5  }
0x10d: {  	v59 =	vld [tilespmem:s16+$0xF0];
	[tilespmem:s17+$0xFFFFFFE0] =	vst v5  }
0x10e: {  	v5 =	vld [tilespmem:s16+$0x60]  }
0x10f: {  	v60 =	vld [tilespmem:s16+$0x70];
	_ =	sdelay $0x1  }
0x110: {  	v0 =	vpack.i.f32.bf16 v2, v0  }
0x111: {  	[tilespmem:s15+$0x70] =	vst v0;
	v61 =	vpack.i.f32.bf16 v3, v1  }
0x112: {  	[tilespmem:s15+$0xFFFFFFF0] =	vst v61;
	v62 =	vpack.i.f32.bf16 v59, v4  }
0x113: {  	[tilespmem:s17+$0x70] =	vst v62;
	v63 =	vpack.i.f32.bf16 v60, v5  }
0x114: {  	[tilespmem:s17+$0xFFFFFFF0] =	vst v63  }
0x115: {  	[hbm4b:s6+s3] =	stream.linear.scatter [tilespmem:s11], [sflag:$0x1], $0x400, $0x38;
	[tilespmem:$0xCC00] =	vst v63  }
0x116: {  	_ =	swait.ge [sflag:s10], $0x400  }
0x117: {  	[sflag:s10] =	ssyncset.done $0x0  }
0x118: {  	[sflag:s10] =	ssyncadd.s32 $0xFFFFFC00  }
.LBB2_9:
0x119: {  	s15 =	simm.s32 $0x0  }
0x11a: {  	[tilespmem:s12], [sflag:$0x1] =	stream.linear.gather [hbm4b:s7+s15], $0x2000, $0x38;
	[tilespmem:$0xCC00] =	vst v63  }
0x11b: {  	s16 =	simm.s32 $0x80;
	s15 =	sand.u32 $0x1800, s15;
	_ =	swait.ge [sflag:s10], $0x2000  }
0x11c: {  	s16 =	sand.u32 $0x380, s16;
	s15 =	sadd.s32 $0x9C00, s15;
	[sflag:s10] =	ssyncset.done $0x0  }
0x11d: {  	s21 =	sor.u32 s16, s15;
	[sflag:s10] =	ssyncadd.s32 $0xFFFFE000  }
0x11e: {  	v0 =	vld [tilespmem:s21+$0x0]  }
0x11f: {  	s30 =	simm.s32 $0x0;
	v1 =	vld [tilespmem:s21+$0x10]  }
0x120: {  	s16 =	sand.u32 $0x300, s30  }
0x121: {  	s16 =	sor.u32 s16, s15  }
0x122: {  	v2 =	vld [tilespmem:s16+$0x0]  }
0x123: {  	v3 =	vld [tilespmem:s16+$0x10]  }
0x124: {  	s15 =	simm.s32 $0xBC80;
	v0 =	vpack.i.f32.bf16 v1, v0  }
0x125: {  	[tilespmem:s15+$0x0] =	vst v0  }
0x126: {  	v0 =	vld [tilespmem:s21+$0x20]  }
0x127: {  	v1 =	vld [tilespmem:s21+$0x30]  }
0x128: {  	v2 =	vpack.i.f32.bf16 v3, v2  }
0x129: {  	[tilespmem:s15+$0xFFFFFF80] =	vst v2  }
0x12a: {  	v2 =	vld [tilespmem:s16+$0x20]  }
0x12b: {  	v3 =	vld [tilespmem:s16+$0x30]  }
0x12c: {  	v0 =	vpack.i.f32.bf16 v1, v0  }
0x12d: {  	[tilespmem:s15+$0x10] =	vst v0  }
0x12e: {  	v0 =	vld [tilespmem:s21+$0x40]  }
0x12f: {  	v1 =	vld [tilespmem:s21+$0x50]  }
0x130: {  	v2 =	vpack.i.f32.bf16 v3, v2  }
0x131: {  	[tilespmem:s15+$0xFFFFFF90] =	vst v2  }
0x132: {  	v2 =	vld [tilespmem:s16+$0x40]  }
0x133: {  	v3 =	vld [tilespmem:s16+$0x50]  }
0x134: {  	v0 =	vpack.i.f32.bf16 v1, v0  }
0x135: {  	[tilespmem:s15+$0x20] =	vst v0  }
0x136: {  	v0 =	vld [tilespmem:s21+$0x60]  }
0x137: {  	v1 =	vld [tilespmem:s21+$0x70]  }
0x138: {  	s17 =	simm.s32 $0x200;
	v2 =	vpack.i.f32.bf16 v3, v2  }
0x139: {  	s20 =	simm.s32 $0x180;
	s17 =	sand.u32 $0x1800, s17;
	[tilespmem:s15+$0xFFFFFFA0] =	vst v2  }
0x13a: {  	s31 =	sand.u32 $0x380, s20;
	s18 =	sadd.s32 $0x9C00, s17;
	v2 =	vld [tilespmem:s16+$0x60]  }
0x13b: {  	s17 =	sor.u32 s31, s18;
	v3 =	vld [tilespmem:s16+$0x70]  }
0x13c: {  	v0 =	vpack.i.f32.bf16 v1, v0;
	v1 =	vld [tilespmem:s17+$0x0]  }
0x13d: {  	s19 =	simm.s32 $0x100;
	[tilespmem:s15+$0x30] =	vst v0;
	v0 =	vld [tilespmem:s17+$0x10]  }
0x13e: {  	s19 =	sand.u32 $0x300, s19;
	v4 =	vld [tilespmem:s21+$0x400]  }
0x13f: {  	s19 =	sor.u32 s19, s18;
	v5 =	vld [tilespmem:s21+$0x410]  }
0x140: {  	v2 =	vpack.i.f32.bf16 v3, v2;
	v3 =	vld [tilespmem:s19+$0x0]  }
0x141: {  	[tilespmem:s15+$0xFFFFFFB0] =	vst v2;
	v2 =	vld [tilespmem:s19+$0x10]  }
0x142: {  	s18 =	simm.s32 $0xBD80;
	v0 =	vpack.i.f32.bf16 v0, v1;
	v1 =	vld [tilespmem:s16+$0x400]  }
0x143: {  	[tilespmem:s18+$0x0] =	vst v0;
	v0 =	vld [tilespmem:s16+$0x410]  }
0x144: {  	v4 =	vpack.i.f32.bf16 v5, v4;
	v6 =	vld [tilespmem:s17+$0x20]  }
0x145: {  	v5 =	vld [tilespmem:s17+$0x30];
	[tilespmem:s15+$0x40] =	vst v4  }
0x146: {  	v2 =	vpack.i.f32.bf16 v2, v3;
	v3 =	vld [tilespmem:s21+$0x420]  }
0x147: {  	[tilespmem:s18+$0xFFFFFF80] =	vst v2;
	v2 =	vld [tilespmem:s21+$0x430]  }
0x148: {  	v4 =	vld [tilespmem:s19+$0x20];
	v0 =	vpack.i.f32.bf16 v0, v1  }
0x149: {  	v1 =	vld [tilespmem:s19+$0x30];
	[tilespmem:s15+$0xFFFFFFC0] =	vst v0  }
0x14a: {  	v0 =	vpack.i.f32.bf16 v5, v6;
	v5 =	vld [tilespmem:s16+$0x420]  }
0x14b: {  	[tilespmem:s18+$0x10] =	vst v0;
	v0 =	vld [tilespmem:s16+$0x430]  }
0x14c: {  	v2 =	vpack.i.f32.bf16 v2, v3;
	v6 =	vld [tilespmem:s17+$0x40]  }
0x14d: {  	v3 =	vld [tilespmem:s17+$0x50];
	[tilespmem:s15+$0x50] =	vst v2  }
0x14e: {  	v1 =	vpack.i.f32.bf16 v1, v4;
	v4 =	vld [tilespmem:s21+$0x440]  }
0x14f: {  	[tilespmem:s18+$0xFFFFFF90] =	vst v1;
	v1 =	vld [tilespmem:s21+$0x450]  }
0x150: {  	v7 =	vld [tilespmem:s19+$0x40];
	v0 =	vpack.i.f32.bf16 v0, v5  }
0x151: {  	v5 =	vld [tilespmem:s19+$0x50];
	[tilespmem:s15+$0xFFFFFFD0] =	vst v0  }
0x152: {  	v0 =	vpack.i.f32.bf16 v3, v6;
	v6 =	vld [tilespmem:s16+$0x440]  }
0x153: {  	[tilespmem:s18+$0x20] =	vst v0;
	v8 =	vld [tilespmem:s16+$0x450]  }
0x154: {  	v2 =	vld [tilespmem:s17+$0x60];
	v0 =	vpack.i.f32.bf16 v1, v4  }
0x155: {  	v3 =	vld [tilespmem:s17+$0x70];
	[tilespmem:s15+$0x60] =	vst v0  }
0x156: {  	v1 =	vpack.i.f32.bf16 v5, v7;
	v0 =	vld [tilespmem:s21+$0x460]  }
0x157: {  	[tilespmem:s18+$0xFFFFFFA0] =	vst v1;
	v1 =	vld [tilespmem:s21+$0x470]  }
0x158: {  	s22 =	simm.s32 $0x400;
	s21 =	simm.s32 $0x2;
	v4 =	vld [tilespmem:s19+$0x60];
	v5 =	vpack.i.f32.bf16 v8, v6  }
.LBB2_10:
0x159: {  	s23 =	sand.u32 $0x1800, s22;
	v6 =	vld [tilespmem:s19+$0x70];
	s20 =	sadd.s32 $0x100, s20;
	[tilespmem:s15+$0xFFFFFFE0] =	vst v5  }
0x15a: {  	s24 =	sadd.s32 $0xFFFFFF80, s20;
	s25 =	sadd.s32 $0x9C00, s23;
	s23 =	sand.u32 $0x380, s20;
	v5 =	vld [tilespmem:s16+$0x460]  }
0x15b: {  	v2 =	vpack.i.f32.bf16 v3, v2;
	s24 =	sand.u32 $0x300, s24;
	s23 =	sor.u32 s23, s25;
	v3 =	vld [tilespmem:s16+$0x470];
	s16 =	smov.u32 s19  }
0x15c: {  	s19 =	sor.u32 s24, s25;
	v7 =	vld [tilespmem:s23+$0x0];
	[tilespmem:s18+$0x30] =	vst v2;
	v0 =	vpack.i.f32.bf16 v1, v0  }
0x15d: {  	v1 =	vld [tilespmem:s23+$0x10];
	[tilespmem:s15+$0x70] =	vst v0  }
0x15e: {  	v0 =	vpack.i.f32.bf16 v6, v4;
	v2 =	vld [tilespmem:s17+$0x400]  }
0x15f: {  	[tilespmem:s18+$0xFFFFFFB0] =	vst v0;
	v0 =	vld [tilespmem:s17+$0x410]  }
0x160: {  	v4 =	vld [tilespmem:s19+$0x0];
	v3 =	vpack.i.f32.bf16 v3, v5  }
0x161: {  	v5 =	vld [tilespmem:s19+$0x10];
	[tilespmem:s15+$0xFFFFFFF0] =	vst v3;
	s15 =	smov.u32 s18  }
0x162: {  	s18 =	sadd.s32 $0x100, s18;
	v1 =	vpack.i.f32.bf16 v1, v7;
	v3 =	vld [tilespmem:s16+$0x400]  }
0x163: {  	s21 =	sadd.s32 $0x2, s21;
	[tilespmem:s18+$0x0] =	vst v1;
	v1 =	vld [tilespmem:s16+$0x410]  }
0x164: {  	p1 =	slt.u32 s21, $0x1E;
	v6 =	vld [tilespmem:s23+$0x20];
	v0 =	vpack.i.f32.bf16 v0, v2  }
0x165: {  	v2 =	vld [tilespmem:s23+$0x30];
	[tilespmem:s15+$0x40] =	vst v0  }
0x166: {  	v0 =	vpack.i.f32.bf16 v5, v4;
	v4 =	vld [tilespmem:s17+$0x420]  }
0x167: {  	[tilespmem:s18+$0xFFFFFF80] =	vst v0;
	v0 =	vld [tilespmem:s17+$0x430]  }
0x168: {  	v5 =	vld [tilespmem:s19+$0x20];
	v1 =	vpack.i.f32.bf16 v1, v3  }
0x169: {  	v3 =	vld [tilespmem:s19+$0x30];
	[tilespmem:s15+$0xFFFFFFC0] =	vst v1  }
0x16a: {  	v1 =	vpack.i.f32.bf16 v2, v6;
	v2 =	vld [tilespmem:s16+$0x420]  }
0x16b: {  	[tilespmem:s18+$0x10] =	vst v1;
	v1 =	vld [tilespmem:s16+$0x430]  }
0x16c: {  	v6 =	vld [tilespmem:s23+$0x40];
	v0 =	vpack.i.f32.bf16 v0, v4  }
0x16d: {  	v4 =	vld [tilespmem:s23+$0x50];
	[tilespmem:s15+$0x50] =	vst v0  }
0x16e: {  	v0 =	vpack.i.f32.bf16 v3, v5;
	v3 =	vld [tilespmem:s17+$0x440]  }
0x16f: {  	[tilespmem:s18+$0xFFFFFF90] =	vst v0;
	v0 =	vld [tilespmem:s17+$0x450]  }
0x170: {  	v5 =	vld [tilespmem:s19+$0x40];
	v1 =	vpack.i.f32.bf16 v1, v2  }
0x171: {  	v7 =	vld [tilespmem:s19+$0x50];
	[tilespmem:s15+$0xFFFFFFD0] =	vst v1  }
0x172: {  	v1 =	vpack.i.f32.bf16 v4, v6;
	v6 =	vld [tilespmem:s16+$0x440]  }
0x173: {  	[tilespmem:s18+$0x20] =	vst v1;
	v8 =	vld [tilespmem:s16+$0x450]  }
.Ltmp4:
0x174: {  	v2 =	vld [tilespmem:s23+$0x60];
	v0 =	vpack.i.f32.bf16 v0, v3;
	(pc) =	sbr.rel @p1 .LBB2_10-.Ltmp4, $4  }
0x175: {  	v3 =	vld [tilespmem:s23+$0x70];
	[tilespmem:s15+$0x60] =	vst v0  }
0x176: {  	v1 =	vpack.i.f32.bf16 v7, v5;
	v0 =	vld [tilespmem:s17+$0x460]  }
0x177: {  	[tilespmem:s18+$0xFFFFFFA0] =	vst v1;
	v1 =	vld [tilespmem:s17+$0x470];
	s17 =	smov.u32 s23  }
0x178: {  	s22 =	sadd.s32 $0x200, s22;
	v4 =	vld [tilespmem:s19+$0x60];
	v5 =	vpack.i.f32.bf16 v8, v6  }
0x179: {  	v6 =	vld [tilespmem:s19+$0x70];
	_ =	sdelay $0x2  }
0x17a: {  	v2 =	vpack.i.f32.bf16 v3, v2  }
0x17b: {  	[tilespmem:s18+$0x30] =	vst v2  }
0x17c: {  	v50 =	vld [tilespmem:s17+$0x400];
	v49 =	vpack.i.f32.bf16 v6, v4  }
0x17d: {  	v51 =	vld [tilespmem:s17+$0x410];
	[tilespmem:s18+$0xFFFFFFB0] =	vst v49  }
0x17e: {  	v52 =	vld [tilespmem:s19+$0x400]  }
0x17f: {  	v53 =	vld [tilespmem:s19+$0x410];
	_ =	sdelay $0x2  }
0x180: {  	v2 =	vpack.i.f32.bf16 v51, v50  }
0x181: {  	[tilespmem:s18+$0x40] =	vst v2  }
0x182: {  	v2 =	vld [tilespmem:s17+$0x420];
	v54 =	vpack.i.f32.bf16 v53, v52  }
0x183: {  	v55 =	vld [tilespmem:s17+$0x430];
	[tilespmem:s18+$0xFFFFFFC0] =	vst v54  }
0x184: {  	v3 =	vld [tilespmem:s19+$0x420]  }
0x185: {  	v56 =	vld [tilespmem:s19+$0x430];
	_ =	sdelay $0x2  }
0x186: {  	v2 =	vpack.i.f32.bf16 v55, v2  }
0x187: {  	[tilespmem:s18+$0x50] =	vst v2  }
0x188: {  	v2 =	vld [tilespmem:s17+$0x440];
	v3 =	vpack.i.f32.bf16 v56, v3  }
0x189: {  	v57 =	vld [tilespmem:s17+$0x450];
	[tilespmem:s18+$0xFFFFFFD0] =	vst v3  }
0x18a: {  	v3 =	vld [tilespmem:s19+$0x440]  }
0x18b: {  	v58 =	vld [tilespmem:s19+$0x450];
	_ =	sdelay $0x1  }
0x18c: {  	[tilespmem:s15+$0xFFFFFFE0] =	vst v5  }
0x18d: {  	v5 =	vld [tilespmem:s16+$0x460];
	v2 =	vpack.i.f32.bf16 v57, v2  }
0x18e: {  	v59 =	vld [tilespmem:s16+$0x470];
	[tilespmem:s18+$0x60] =	vst v2  }
0x18f: {  	v2 =	vld [tilespmem:s17+$0x460];
	v3 =	vpack.i.f32.bf16 v58, v3  }
0x190: {  	v60 =	vld [tilespmem:s17+$0x470];
	[tilespmem:s18+$0xFFFFFFE0] =	vst v3  }
0x191: {  	v3 =	vld [tilespmem:s19+$0x460]  }
0x192: {  	v7 =	vld [tilespmem:s19+$0x470];
	_ =	sdelay $0x1  }
0x193: {  	v0 =	vpack.i.f32.bf16 v1, v0  }
0x194: {  	[tilespmem:s15+$0x70] =	vst v0;
	v61 =	vpack.i.f32.bf16 v59, v5  }
0x195: {  	s14 =	sadd.s32 $0x1, s14;
	[tilespmem:s15+$0xFFFFFFF0] =	vst v61;
	v62 =	vpack.i.f32.bf16 v60, v2  }
0x196: {  	p1 =	sne.s32 s14, s9;
	[tilespmem:s18+$0x70] =	vst v62;
	v63 =	vpack.i.f32.bf16 v7, v3  }
.Ltmp5:
0x197: {  	[tilespmem:s18+$0xFFFFFFF0] =	vst v63;
	(pc) =	sbr.rel @p1 .LBB2_1-.Ltmp5, $4  }
0x198: {  	[hbm4b:s8+s3] =	stream.linear.scatter [tilespmem:s13], [sflag:$0x1], $0x1000, $0x38;
	[tilespmem:$0xCC00] =	vst v63  }
0x199: {  	_ =	swait.ge [sflag:s10], $0x1000  }
0x19a: {  	[sflag:s10] =	ssyncset.done $0x0  }
0x19b: {  	[sflag:s10] =	ssyncadd.s32 $0xFFFFF000  }
0x19c: {  	_ =	sfence.sel $0x180000  }
0x19d: {  	[bflag:$0x0] =	sbarrier.arrive $0xFFFF  }
0x19e: {  	_ =	strace $0x90000047  }
0x19f: {  	s0 =	sadd.s32 @!p0 $0x100000, s0;
	[bflag:$0x2] =	sbarrier.arrive $0xFFFF  }
0x1a0: {  	[sflag:s0] =	ssyncadd.tile.s32 @!p0 $0x1;
	_ =	shalt  }
.Lfunc_end2:
_tile_overlayer_lowered:
.L_overlay_start_2:
0x1a1: {  	(tag) =	ssettag $0x2  }
0x1a2: {  	s0 =	rddreg [dreg:$0x0];
	s2 =	stileid.u32  }
0x1a3: {  	s1 =	rddreg [dreg:$0x1];
	p0 =	sne.s32 s2, $0x0  }
0x1a4: {  	s3 =	rddreg [dreg:$0x2];
	[bflag:$0x3] =	sbarrier.arrive $0xFFFF;
	s2 =	simm.s32 @!p0 $0x1C01  }
0x1a5: {  	[timem:s3], [sflag:s2] =	dma.local @!p0 [hbm:s0], s1  }
0x1a6: {  	s0 =	simm.s32 @!p0 $0x1  }
0x1a7: {  	_ =	swait.ge @!p0 [sflag:s0], s1  }
0x1a8: {  	s1 =	ssub.s32 @!p0 $0x0, s1;
	[sflag:s0] =	ssyncset.done @!p0 $0x0  }
0x1a9: {  	[sflag:s0] =	ssyncadd.s32 @!p0 s1  }
0x1aa: {  	[bflag:$0x3] =	sbarrier.arrive $0xFFFF  }
0x1ab: {  	_ =	shalt  }

</sc_bundles>
